<compile_context>
chip_gen: v7x
topology: tpu7x:2x2x1
jax: 0.10.2.dev20260603
libtpu: 0.0.44.dev20260713+nightly
codegen_flags: <defaults>
</compile_context>

<pallas_src>
import functools

import jax
import jax.numpy as jnp
from jax import lax
from jax.experimental import pallas as pl
from jax.experimental.pallas import tpu as pltpu
from jax.experimental.pallas import tpu_sc as plsc

D = 768
H = 12
DH = D // H
E = 8
K = 3
S = 2048
FCH = 4
FBLK = 2 * D // FCH


def _mmT(a, w):
    return jax.lax.dot_general(a, w, (((1,), (1,)), ((), ())),
                               preferred_element_type=jnp.float32)


def _stage1(text_ref, mod0_ref,
            in_proj_w_ref, in_proj_b_ref,
            out_w_ref, out_b_ref,
            gW1_ref, gb1_ref, gW2_ref, gb2_ref,
            f_ref, summary_ref, g16_ref):
    text = text_ref[...]
    mod0 = mod0_ref[...]
    enh = text + mod0

    summary_ref[...] = jnp.mean(enh, axis=0, keepdims=True)

    q0 = _mmT(enh[0:1], in_proj_w_ref[0:D, :]) + in_proj_b_ref[:, 0:D]
    h_iota = jax.lax.broadcasted_iota(jnp.int32, (H, D), 0)
    j_iota = jax.lax.broadcasted_iota(jnp.int32, (H, D), 1)
    head_mask = (j_iota // DH) == h_iota
    q_rows = jnp.where(head_mask, q0, 0.0)
    U = jax.lax.dot_general(q_rows, in_proj_w_ref[D:2 * D, :],
                            (((1,), (0,)), ((), ())),
                            preferred_element_type=jnp.float32)
    scores = _mmT(enh, U) * (1.0 / jnp.sqrt(jnp.float32(DH)))
    probs = jax.nn.softmax(scores, axis=0)
    P = jax.lax.dot_general(probs, enh, (((0,), (0,)), ((), ())),
                            preferred_element_type=jnp.float32)
    O = _mmT(P, in_proj_w_ref[2 * D:3 * D, :])
    o0 = jnp.sum(jnp.where(head_mask, O, 0.0), axis=0, keepdims=True)
    o0 = o0 + in_proj_b_ref[:, 2 * D:3 * D]
    f = _mmT(o0, out_w_ref[...]) + out_b_ref[...]
    f_ref[...] = f

    g1 = jnp.maximum(_mmT(f, gW1_ref[...]) + gb1_ref[...], 0.0)
    g16_ref[...] = _mmT(g1, gW2_ref[...]) + gb2_ref[...]


def _sc_gate(g_hbm, wsel_hbm, isel_hbm, g_v, w_v, i_v, e_v):
    tile0 = (lax.axis_index("c") == 0) & (lax.axis_index("s") == 0)
    lane = lax.iota(jnp.int32, 16)

    @pl.when(tile0)
    def _():
        pltpu.sync_copy(g_hbm, g_v)

        g = g_v[...]
        gs = [g[j] for j in range(E)]

        m = gs[0]
        for j in range(1, E):
            m = jnp.maximum(m, gs[j])
        v1 = gs[0]
        i1 = jnp.int32(0)
        for j in range(1, E):
            b = gs[j] > v1
            v1 = jnp.where(b, gs[j], v1)
            i1 = jnp.where(b, jnp.int32(j), i1)
        v2 = jnp.float32(-jnp.inf)
        i2 = jnp.int32(0)
        for j in range(E):
            b = (gs[j] > v2) & (jnp.int32(j) != i1)
            v2 = jnp.where(b, gs[j], v2)
            i2 = jnp.where(b, jnp.int32(j), i2)
        v3 = jnp.float32(-jnp.inf)
        i3 = jnp.int32(0)
        for j in range(E):
            b = (gs[j] > v3) & (jnp.int32(j) != i1) & (jnp.int32(j) != i2)
            v3 = jnp.where(b, gs[j], v3)
            i3 = jnp.where(b, jnp.int32(j), i3)

        e_vec = jnp.exp(g - m)
        e_v[...] = e_vec
        ssum = e_vec[0]
        for j in range(1, E):
            ssum = ssum + e_vec[j]
        gp = e_vec / ssum

        sel = (lane == i1) | (lane == i2) | (lane == i3)
        e2 = jnp.exp(jnp.where(sel, gp, -jnp.inf))
        s3 = e2[0]
        for j in range(1, E):
            s3 = s3 + e2[j]

        w_v[...] = jnp.where(sel, e2 / s3, 0.0)
        i_v[...] = jnp.where(lane == 0, i1,
                             jnp.where(lane == 1, i2,
                                       jnp.where(lane == 2, i3, 0)))
        pltpu.sync_copy(w_v, wsel_hbm)
        pltpu.sync_copy(i_v, isel_hbm)


def _stage2(idx_ref, f_ref, wsel_ref,
            eW1_ref, eb1_ref, eW2_ref, eb2_ref, eG_ref, eB_ref,
            comb_ref, rW1_ref, rb1_ref, rW2_ref, rb2_ref, rW3_ref, rb3_ref,
            out_ref, routing_ref, acc_ref, h1_ref):
    e = pl.program_id(0)
    c = pl.program_id(1)
    gi = e * FCH + c

    h1p = _mmT(comb_ref[:, pl.ds(gi * 128, 128)], rW1_ref[...])

    @pl.when(gi == 0)
    def _():
        h1_ref[...] = jnp.zeros_like(h1_ref)

    h1_ref[...] += h1p

    @pl.when(gi == K * FCH - 1)
    def _():
        h1 = jnp.maximum(h1_ref[...] + rb1_ref[...], 0.0)
        h2 = jnp.maximum(_mmT(h1, rW2_ref[...]) + rb2_ref[...], 0.0)
        prod = h2 * rW3_ref[...]
        ones_mat = jnp.ones((D // 2, 128), jnp.float32)
        lg = jax.lax.dot_general(prod, ones_mat, (((1,), (0,)), ((), ())),
                                 preferred_element_type=jnp.float32)
        rw = jax.nn.sigmoid(lg + rb3_ref[...])
        routing_ref[...] = rw / rw

    f = f_ref[...]
    eh = _mmT(f, eW1_ref[0]) + eb1_ref[0]
    eh = 0.5 * eh * (1.0 + jax.lax.erf(eh * (1.0 / jnp.sqrt(jnp.float32(2.0)))))
    part = _mmT(eh, eW2_ref[0])

    @pl.when(c == 0)
    def _():
        acc_ref[...] = jnp.zeros_like(acc_ref)

    acc_ref[...] += part

    @pl.when(c == FCH - 1)
    def _():
        eo = acc_ref[...] + eb2_ref[0]
        mu = jnp.mean(eo, axis=1, keepdims=True)
        cc = eo - mu
        var = jnp.mean(cc * cc, axis=1, keepdims=True)
        ln = cc / jnp.sqrt(var + 1e-5) * eG_ref[0] + eB_ref[0]
        iota_p = jax.lax.broadcasted_iota(jnp.int32, (1, 16), 1)
        w = jnp.sum(jnp.where(iota_p == idx_ref[e], wsel_ref[...], 0.0))

        @pl.when(e == 0)
        def _():
            out_ref[...] = jnp.zeros_like(out_ref)

        out_ref[...] += w * ln


def kernel(text, context, mod_emb, rW1, rb1, rW2, rb2, rW3, rb3,
           in_proj_w, in_proj_b, out_w, out_b,
           gW1, gb1, gW2, gb2, eW1, eb1, eW2, eb2, eG, eB):
    ctx = context.reshape(1, D)
    mod0 = mod_emb[0:1, :]

    gW2_pad = jnp.zeros((16, D // 2), jnp.float32).at[0:E].set(gW2)
    gb2_pad = jnp.full((1, 16), -jnp.inf, jnp.float32).at[0, 0:E].set(gb2)

    f, summary, g16 = pl.pallas_call(
        _stage1,
        out_shape=(
            jax.ShapeDtypeStruct((1, D), jnp.float32),
            jax.ShapeDtypeStruct((1, D), jnp.float32),
            jax.ShapeDtypeStruct((1, 16), jnp.float32),
        ),
    )(text, mod0,
      in_proj_w, in_proj_b.reshape(1, 3 * D),
      out_w, out_b.reshape(1, D),
      gW1, gb1.reshape(1, D // 2), gW2_pad, gb2_pad)

    combined = jnp.concatenate([summary, ctx], axis=1)

    sc_gate = functools.partial(
        pl.kernel,
        mesh=plsc.VectorSubcoreMesh(core_axis_name="c", subcore_axis_name="s"),
        out_type=(
            jax.ShapeDtypeStruct((16,), jnp.float32),
            jax.ShapeDtypeStruct((16,), jnp.int32),
        ),
        scratch_types=[
            pltpu.VMEM((16,), jnp.float32),
            pltpu.VMEM((16,), jnp.float32),
            pltpu.VMEM((16,), jnp.int32),
            pltpu.VMEM((16,), jnp.float32),
        ],
    )(_sc_gate)
    wsel16, isel16 = sc_gate(g16.reshape(16))

    wsel = wsel16.reshape(1, 16)
    top_i = isel16[0:K]

    fused, routing = pl.pallas_call(
        _stage2,
        grid_spec=pltpu.PrefetchScalarGridSpec(
            num_scalar_prefetch=1,
            grid=(K, FCH),
            in_specs=[
                pl.BlockSpec((1, D), lambda e, c, idx: (0, 0)),
                pl.BlockSpec((1, 16), lambda e, c, idx: (0, 0)),
                pl.BlockSpec((1, FBLK, D), lambda e, c, idx: (idx[e], c, 0)),
                pl.BlockSpec((1, 1, FBLK), lambda e, c, idx: (idx[e], 0, c)),
                pl.BlockSpec((1, D, FBLK), lambda e, c, idx: (idx[e], 0, c)),
                pl.BlockSpec((1, 1, D), lambda e, c, idx: (idx[e], 0, 0)),
                pl.BlockSpec((1, 1, D), lambda e, c, idx: (idx[e], 0, 0)),
                pl.BlockSpec((1, 1, D), lambda e, c, idx: (idx[e], 0, 0)),
                pl.BlockSpec((1, 2 * D), lambda e, c, idx: (0, 0)),
                pl.BlockSpec((D, 128), lambda e, c, idx: (0, e * FCH + c)),
                pl.BlockSpec((1, D), lambda e, c, idx: (0, 0)),
                pl.BlockSpec((D // 2, D), lambda e, c, idx: (0, 0)),
                pl.BlockSpec((1, D // 2), lambda e, c, idx: (0, 0)),
                pl.BlockSpec((1, D // 2), lambda e, c, idx: (0, 0)),
                pl.BlockSpec((1, 128), lambda e, c, idx: (0, 0)),
            ],
            out_specs=(
                pl.BlockSpec((1, D), lambda e, c, idx: (0, 0)),
                pl.BlockSpec((1, 128), lambda e, c, idx: (0, 0)),
            ),
            scratch_shapes=[pltpu.VMEM((1, D), jnp.float32),
                            pltpu.VMEM((1, D), jnp.float32)],
        ),
        out_shape=(jax.ShapeDtypeStruct((1, D), jnp.float32),
                   jax.ShapeDtypeStruct((1, 128), jnp.float32)),
        compiler_params=pltpu.CompilerParams(
            dimension_semantics=("arbitrary", "arbitrary")),
    )(top_i, f, wsel,
      eW1, eb1.reshape(E, 1, 2 * D), eW2,
      eb2.reshape(E, 1, D), eG.reshape(E, 1, D), eB.reshape(E, 1, D),
      combined, rW1, rb1.reshape(1, D),
      rW2, rb2.reshape(1, D // 2), rW3,
      jnp.broadcast_to(rb3.reshape(1, 1), (1, 128)))

    return fused.reshape(D), routing[0, 0]

# --- scband reference (transcript-rebuilt; emitter-appended) ---
"""Pipeline reference for scband-improved-cross-modal-attention-2929167696341 (READ-ONLY COPY).

The authoritative reference and input builder live on the scoring server;
editing this copy changes nothing except your own understanding.
"""

import jax, jax.numpy as jnp
import numpy as np

D = 768
H = 12
DH = D // H
E = 8
K = 3
S = 2048


def setup_inputs(seed: int = 0) -> dict:
    key = jax.random.key(seed)
    ks = jax.random.split(key, 16)
    s = 0.02
    return {
        "text": jax.random.normal(ks[0], (S, D), dtype=jnp.float32),
        "context": jax.random.normal(ks[1], (D,), dtype=jnp.float32),
        "mod_emb": jax.random.normal(ks[2], (8, D), dtype=jnp.float32),
        "rW1": jax.random.normal(ks[3], (D, 2 * D), dtype=jnp.float32) * s,
        "rb1": jnp.zeros((D,), jnp.float32),
        "rW2": jax.random.normal(ks[4], (D // 2, D), dtype=jnp.float32) * s,
        "rb2": jnp.zeros((D // 2,), jnp.float32),
        "rW3": jax.random.normal(ks[5], (1, D // 2), dtype=jnp.float32) * s,
        "rb3": jnp.zeros((1,), jnp.float32),
        "in_proj_w": jax.random.normal(ks[6], (3 * D, D), dtype=jnp.float32) * s,
        "in_proj_b": jnp.zeros((3 * D,), jnp.float32),
        "out_w": jax.random.normal(ks[7], (D, D), dtype=jnp.float32) * s,
        "out_b": jnp.zeros((D,), jnp.float32),
        "gW1": jax.random.normal(ks[8], (D // 2, D), dtype=jnp.float32) * s,
        "gb1": jnp.zeros((D // 2,), jnp.float32),
        "gW2": jax.random.normal(ks[9], (E, D // 2), dtype=jnp.float32) * s,
        "gb2": jnp.zeros((E,), jnp.float32),
        "eW1": jax.random.normal(ks[10], (E, 2 * D, D), dtype=jnp.float32) * s,
        "eb1": jnp.zeros((E, 2 * D), jnp.float32),
        "eW2": jax.random.normal(ks[11], (E, D, 2 * D), dtype=jnp.float32) * s,
        "eb2": jnp.zeros((E, D), jnp.float32),
        "eG": jnp.ones((E, D), jnp.float32),
        "eB": jnp.zeros((E, D), jnp.float32),
    }


def reference(text, context, mod_emb, rW1, rb1, rW2, rb2, rW3, rb3,
              in_proj_w, in_proj_b, out_w, out_b,
              gW1, gb1, gW2, gb2, eW1, eb1, eW2, eb2, eG, eB):
    # 1. modality embedding enhancement (single modality 'text' -> idx 0)
    enhanced = text + mod_emb[0]

    # 2. dynamic router: feat summary = mean over sequence, cat with context
    summary = enhanced.mean(axis=0)
    combined = jnp.concatenate([summary, context], axis=-1)
    h = jax.nn.relu(combined @ rW1.T + rb1)
    h = jax.nn.relu(h @ rW2.T + rb2)
    rw = jax.nn.sigmoid(h @ rW3.T + rb3)[0]
    routing = rw / rw  # single modality -> normalized weight == 1.0

    # 3. sparse cross-modal attention: n_modalities == 1 -> mask is None
    x = enhanced[None]  # [1, S, D]
    qkv = x @ in_proj_w.T + in_proj_b
    q, k, v = jnp.split(qkv, 3, axis=-1)

    def heads(t):
        return t.reshape(1, S, H, DH).transpose(0, 2, 1, 3)

    q, k, v = heads(q), heads(k), heads(v)
    attn = jax.nn.softmax((q @ k.transpose(0, 1, 3, 2)) / jnp.sqrt(jnp.float32(DH)), axis=-1)
    o = (attn @ v).transpose(0, 2, 1, 3).reshape(1, S, D)
    o = o @ out_w.T + out_b
    attended = o.mean(axis=0)  # [S, D]

    # 4. MoE fusion: features.view(-1)[:d_model]
    f = attended.reshape(-1)[:D]
    g = jax.nn.relu(f @ gW1.T + gb1) @ gW2.T + gb2
    gate_probs = jax.nn.softmax(g, axis=-1)
    top_g, top_i = jax.lax.top_k(gate_probs, K)
    top_g = jax.nn.softmax(top_g, axis=-1)
    w = jnp.zeros((E,), jnp.float32).at[top_i].add(top_g)
    eh = jax.nn.gelu(jnp.einsum('d,efd->ef', f, eW1) + eb1, approximate=False)
    eo = jnp.einsum('ef,edf->ed', eh, eW2) + eb2
    mu = eo.mean(axis=-1, keepdims=True)
    var = eo.var(axis=-1, keepdims=True)
    eo = (eo - mu) / jnp.sqrt(var + 1e-5) * eG + eB
    fused = jnp.einsum('e,ed->d', w, eo)
    return fused, routing

if __name__ == "__main__":
    import jax
    _d = setup_inputs()
    print(jax.jit(kernel)(*tuple(_d.values())))

</pallas_src>

<mosaic_0001>
#map = affine_map<(d0, d1) -> (0)>
module attributes {stable_mosaic.version = 14 : i64} {
  func.func @_sc_gate(%arg0: i32, %arg1: i32, %arg2: memref<16xf32, #tpu.memory_space<hbm>>, %arg3: memref<16xf32, #tpu.memory_space<hbm>>, %arg4: memref<16xi32, #tpu.memory_space<hbm>>, %arg5: memref<16xf32, #tpu.memory_space<vmem>>, %arg6: memref<16xf32, #tpu.memory_space<vmem>>, %arg7: memref<16xi32, #tpu.memory_space<vmem>>, %arg8: memref<16xf32, #tpu.memory_space<vmem>>) attributes {dimension_semantics = [#tpu.dimension_semantics<core_parallel>, #tpu.dimension_semantics<subcore_parallel>], iteration_bounds = array<i64: 2, 16>, scalar_prefetch = 0 : i64, scratch_operands = 4 : i64, tpu.core_type = #tpu.core_type<sc_vector_subcore>, window_params = [{transform_indices = #map}, {transform_indices = #map}, {transform_indices = #map}]} {
    %eq3A = arith.constant 0 : i32
    %eq3A_0 = arith.cmpi eq, %arg0, %eq3A : i32
    %eq3A_1 = arith.constant 0 : i32
    %eq3A_2 = arith.cmpi eq, %arg1, %eq3A_1 : i32
    %and3A = arith.andi %eq3A_0, %eq3A_2 : i1
    %iota3A = tpu.iota {dimensions = array<i32: 0>} : vector<16xi32>
    %convert_element_type3A = arith.extui %and3A : i1 to i32
    %cond3A = arith.constant 0 : i32
    %cond3A_3 = arith.cmpi ne, %convert_element_type3A, %cond3A : i32
    scf.if %cond3A_3 {
      "tpu.region"() ({
        %run_scoped3A = tpu.sem_alloc : memref<!tpu.dma_semaphore, #tpu.memory_space<semaphore_mem>>
        tpu.enqueue_dma source(%arg2 : memref<16xf32, #tpu.memory_space<hbm>>) target(%arg5 : memref<16xf32, #tpu.memory_space<vmem>>) target_semaphore(%run_scoped3A : memref<!tpu.dma_semaphore, #tpu.memory_space<semaphore_mem>>)
        tpu.wait_dma2 semaphore(%run_scoped3A : memref<!tpu.dma_semaphore, #tpu.memory_space<semaphore_mem>>) src(%arg2 : memref<16xf32, #tpu.memory_space<hbm>>) dst(%arg5 : memref<16xf32, #tpu.memory_space<vmem>>)
        tpu.yield
      }) : () -> ()
      %get3A = arith.constant 0 : index
      %get3A_4 = tpu.vector_load %arg5[%get3A] {strides = array<i32>} : memref<16xf32, #tpu.memory_space<vmem>>, vector<16xf32>,
      %get3A_5 = vector.shape_cast %get3A_4 : vector<16xf32> to vector<16xf32>
      %slice3A = vector.extract_strided_slice %get3A_5 {offsets = [0], sizes = [1], strides = [1]} : vector<16xf32> to vector<1xf32>
      %squeeze3A = vector.extract %slice3A[0] : f32 from vector<1xf32>
      %slice3A_6 = vector.extract_strided_slice %get3A_5 {offsets = [1], sizes = [1], strides = [1]} : vector<16xf32> to vector<1xf32>
      %squeeze3A_7 = vector.extract %slice3A_6[0] : f32 from vector<1xf32>
      %slice3A_8 = vector.extract_strided_slice %get3A_5 {offsets = [2], sizes = [1], strides = [1]} : vector<16xf32> to vector<1xf32>
      %squeeze3A_9 = vector.extract %slice3A_8[0] : f32 from vector<1xf32>
      %slice3A_10 = vector.extract_strided_slice %get3A_5 {offsets = [3], sizes = [1], strides = [1]} : vector<16xf32> to vector<1xf32>
      %squeeze3A_11 = vector.extract %slice3A_10[0] : f32 from vector<1xf32>
      %slice3A_12 = vector.extract_strided_slice %get3A_5 {offsets = [4], sizes = [1], strides = [1]} : vector<16xf32> to vector<1xf32>
      %squeeze3A_13 = vector.extract %slice3A_12[0] : f32 from vector<1xf32>
      %slice3A_14 = vector.extract_strided_slice %get3A_5 {offsets = [5], sizes = [1], strides = [1]} : vector<16xf32> to vector<1xf32>
      %squeeze3A_15 = vector.extract %slice3A_14[0] : f32 from vector<1xf32>
      %slice3A_16 = vector.extract_strided_slice %get3A_5 {offsets = [6], sizes = [1], strides = [1]} : vector<16xf32> to vector<1xf32>
      %squeeze3A_17 = vector.extract %slice3A_16[0] : f32 from vector<1xf32>
      %slice3A_18 = vector.extract_strided_slice %get3A_5 {offsets = [7], sizes = [1], strides = [1]} : vector<16xf32> to vector<1xf32>
      %squeeze3A_19 = vector.extract %slice3A_18[0] : f32 from vector<1xf32>
      %max3A = arith.maximumf %squeeze3A, %squeeze3A_7 : f32
      %max3A_20 = arith.maximumf %max3A, %squeeze3A_9 : f32
      %max3A_21 = arith.maximumf %max3A_20, %squeeze3A_11 : f32
      %max3A_22 = arith.maximumf %max3A_21, %squeeze3A_13 : f32
      %max3A_23 = arith.maximumf %max3A_22, %squeeze3A_15 : f32
      %max3A_24 = arith.maximumf %max3A_23, %squeeze3A_17 : f32
      %max3A_25 = arith.maximumf %max3A_24, %squeeze3A_19 : f32
      %gt3A = arith.cmpf ogt, %squeeze3A_7, %squeeze3A : f32
      %select_n3A = arith.select %gt3A, %squeeze3A_7, %squeeze3A : f32
      %jit3A = arith.constant 1 : i32
      %jit3A_26 = arith.constant 0 : i32
      %select_n3A_27 = arith.select %gt3A, %jit3A, %jit3A_26 : i32
      %gt3A_28 = arith.cmpf ogt, %squeeze3A_9, %select_n3A : f32
      %select_n3A_29 = arith.select %gt3A_28, %squeeze3A_9, %select_n3A : f32
      %jit3A_30 = arith.constant 2 : i32
      %select_n3A_31 = arith.select %gt3A_28, %jit3A_30, %select_n3A_27 : i32
      %gt3A_32 = arith.cmpf ogt, %squeeze3A_11, %select_n3A_29 : f32
      %select_n3A_33 = arith.select %gt3A_32, %squeeze3A_11, %select_n3A_29 : f32
      %jit3A_34 = arith.constant 3 : i32
      %select_n3A_35 = arith.select %gt3A_32, %jit3A_34, %select_n3A_31 : i32
      %gt3A_36 = arith.cmpf ogt, %squeeze3A_13, %select_n3A_33 : f32
      %select_n3A_37 = arith.select %gt3A_36, %squeeze3A_13, %select_n3A_33 : f32
      %jit3A_38 = arith.constant 4 : i32
      %select_n3A_39 = arith.select %gt3A_36, %jit3A_38, %select_n3A_35 : i32
      %gt3A_40 = arith.cmpf ogt, %squeeze3A_15, %select_n3A_37 : f32
      %select_n3A_41 = arith.select %gt3A_40, %squeeze3A_15, %select_n3A_37 : f32
      %jit3A_42 = arith.constant 5 : i32
      %select_n3A_43 = arith.select %gt3A_40, %jit3A_42, %select_n3A_39 : i32
      %gt3A_44 = arith.cmpf ogt, %squeeze3A_17, %select_n3A_41 : f32
      %select_n3A_45 = arith.select %gt3A_44, %squeeze3A_17, %select_n3A_41 : f32
      %jit3A_46 = arith.constant 6 : i32
      %select_n3A_47 = arith.select %gt3A_44, %jit3A_46, %select_n3A_43 : i32
      %gt3A_48 = arith.cmpf ogt, %squeeze3A_19, %select_n3A_45 : f32
      %select_n3A_49 = arith.select %gt3A_48, %squeeze3A_19, %select_n3A_45 : f32
      %jit3A_50 = arith.constant 7 : i32
      %select_n3A_51 = arith.select %gt3A_48, %jit3A_50, %select_n3A_47 : i32
      %gt3A_52 = arith.constant 0xFF800000 : f32
      %gt3A_53 = arith.cmpf ogt, %squeeze3A, %gt3A_52 : f32
      %ne3A = arith.constant 0 : i32
      %ne3A_54 = arith.cmpi ne, %ne3A, %select_n3A_51 : i32
      %and3A_55 = arith.andi %gt3A_53, %ne3A_54 : i1
      %jit3A_56 = arith.constant 0xFF800000 : f32
      %select_n3A_57 = arith.select %and3A_55, %squeeze3A, %jit3A_56 : f32
      %jit3A_58 = arith.constant 0 : i32
      %jit3A_59 = arith.constant 0 : i32
      %select_n3A_60 = arith.select %and3A_55, %jit3A_58, %jit3A_59 : i32
      %gt3A_61 = arith.cmpf ogt, %squeeze3A_7, %select_n3A_57 : f32
      %ne3A_62 = arith.constant 1 : i32
      %ne3A_63 = arith.cmpi ne, %ne3A_62, %select_n3A_51 : i32
      %and3A_64 = arith.andi %gt3A_61, %ne3A_63 : i1
      %select_n3A_65 = arith.select %and3A_64, %squeeze3A_7, %select_n3A_57 : f32
      %jit3A_66 = arith.constant 1 : i32
      %select_n3A_67 = arith.select %and3A_64, %jit3A_66, %select_n3A_60 : i32
      %gt3A_68 = arith.cmpf ogt, %squeeze3A_9, %select_n3A_65 : f32
      %ne3A_69 = arith.constant 2 : i32
      %ne3A_70 = arith.cmpi ne, %ne3A_69, %select_n3A_51 : i32
      %and3A_71 = arith.andi %gt3A_68, %ne3A_70 : i1
      %select_n3A_72 = arith.select %and3A_71, %squeeze3A_9, %select_n3A_65 : f32
      %jit3A_73 = arith.constant 2 : i32
      %select_n3A_74 = arith.select %and3A_71, %jit3A_73, %select_n3A_67 : i32
      %gt3A_75 = arith.cmpf ogt, %squeeze3A_11, %select_n3A_72 : f32
      %ne3A_76 = arith.constant 3 : i32
      %ne3A_77 = arith.cmpi ne, %ne3A_76, %select_n3A_51 : i32
      %and3A_78 = arith.andi %gt3A_75, %ne3A_77 : i1
      %select_n3A_79 = arith.select %and3A_78, %squeeze3A_11, %select_n3A_72 : f32
      %jit3A_80 = arith.constant 3 : i32
      %select_n3A_81 = arith.select %and3A_78, %jit3A_80, %select_n3A_74 : i32
      %gt3A_82 = arith.cmpf ogt, %squeeze3A_13, %select_n3A_79 : f32
      %ne3A_83 = arith.constant 4 : i32
      %ne3A_84 = arith.cmpi ne, %ne3A_83, %select_n3A_51 : i32
      %and3A_85 = arith.andi %gt3A_82, %ne3A_84 : i1
      %select_n3A_86 = arith.select %and3A_85, %squeeze3A_13, %select_n3A_79 : f32
      %jit3A_87 = arith.constant 4 : i32
      %select_n3A_88 = arith.select %and3A_85, %jit3A_87, %select_n3A_81 : i32
      %gt3A_89 = arith.cmpf ogt, %squeeze3A_15, %select_n3A_86 : f32
      %ne3A_90 = arith.constant 5 : i32
      %ne3A_91 = arith.cmpi ne, %ne3A_90, %select_n3A_51 : i32
      %and3A_92 = arith.andi %gt3A_89, %ne3A_91 : i1
      %select_n3A_93 = arith.select %and3A_92, %squeeze3A_15, %select_n3A_86 : f32
      %jit3A_94 = arith.constant 5 : i32
      %select_n3A_95 = arith.select %and3A_92, %jit3A_94, %select_n3A_88 : i32
      %gt3A_96 = arith.cmpf ogt, %squeeze3A_17, %select_n3A_93 : f32
      %ne3A_97 = arith.constant 6 : i32
      %ne3A_98 = arith.cmpi ne, %ne3A_97, %select_n3A_51 : i32
      %and3A_99 = arith.andi %gt3A_96, %ne3A_98 : i1
      %select_n3A_100 = arith.select %and3A_99, %squeeze3A_17, %select_n3A_93 : f32
      %jit3A_101 = arith.constant 6 : i32
      %select_n3A_102 = arith.select %and3A_99, %jit3A_101, %select_n3A_95 : i32
      %gt3A_103 = arith.cmpf ogt, %squeeze3A_19, %select_n3A_100 : f32
      %ne3A_104 = arith.constant 7 : i32
      %ne3A_105 = arith.cmpi ne, %ne3A_104, %select_n3A_51 : i32
      %and3A_106 = arith.andi %gt3A_103, %ne3A_105 : i1
      %select_n3A_107 = arith.select %and3A_106, %squeeze3A_19, %select_n3A_100 : f32
      %jit3A_108 = arith.constant 7 : i32
      %select_n3A_109 = arith.select %and3A_106, %jit3A_108, %select_n3A_102 : i32
      %gt3A_110 = arith.constant 0xFF800000 : f32
      %gt3A_111 = arith.cmpf ogt, %squeeze3A, %gt3A_110 : f32
      %ne3A_112 = arith.constant 0 : i32
      %ne3A_113 = arith.cmpi ne, %ne3A_112, %select_n3A_51 : i32
      %and3A_114 = arith.andi %gt3A_111, %ne3A_113 : i1
      %ne3A_115 = arith.constant 0 : i32
      %ne3A_116 = arith.cmpi ne, %ne3A_115, %select_n3A_109 : i32
      %and3A_117 = arith.andi %and3A_114, %ne3A_116 : i1
      %jit3A_118 = arith.constant 0xFF800000 : f32
      %select_n3A_119 = arith.select %and3A_117, %squeeze3A, %jit3A_118 : f32
      %jit3A_120 = arith.constant 0 : i32
      %jit3A_121 = arith.constant 0 : i32
      %select_n3A_122 = arith.select %and3A_117, %jit3A_120, %jit3A_121 : i32
      %gt3A_123 = arith.cmpf ogt, %squeeze3A_7, %select_n3A_119 : f32
      %ne3A_124 = arith.constant 1 : i32
      %ne3A_125 = arith.cmpi ne, %ne3A_124, %select_n3A_51 : i32
      %and3A_126 = arith.andi %gt3A_123, %ne3A_125 : i1
      %ne3A_127 = arith.constant 1 : i32
      %ne3A_128 = arith.cmpi ne, %ne3A_127, %select_n3A_109 : i32
      %and3A_129 = arith.andi %and3A_126, %ne3A_128 : i1
      %select_n3A_130 = arith.select %and3A_129, %squeeze3A_7, %select_n3A_119 : f32
      %jit3A_131 = arith.constant 1 : i32
      %select_n3A_132 = arith.select %and3A_129, %jit3A_131, %select_n3A_122 : i32
      %gt3A_133 = arith.cmpf ogt, %squeeze3A_9, %select_n3A_130 : f32
      %ne3A_134 = arith.constant 2 : i32
      %ne3A_135 = arith.cmpi ne, %ne3A_134, %select_n3A_51 : i32
      %and3A_136 = arith.andi %gt3A_133, %ne3A_135 : i1
      %ne3A_137 = arith.constant 2 : i32
      %ne3A_138 = arith.cmpi ne, %ne3A_137, %select_n3A_109 : i32
      %and3A_139 = arith.andi %and3A_136, %ne3A_138 : i1
      %select_n3A_140 = arith.select %and3A_139, %squeeze3A_9, %select_n3A_130 : f32
      %jit3A_141 = arith.constant 2 : i32
      %select_n3A_142 = arith.select %and3A_139, %jit3A_141, %select_n3A_132 : i32
      %gt3A_143 = arith.cmpf ogt, %squeeze3A_11, %select_n3A_140 : f32
      %ne3A_144 = arith.constant 3 : i32
      %ne3A_145 = arith.cmpi ne, %ne3A_144, %select_n3A_51 : i32
      %and3A_146 = arith.andi %gt3A_143, %ne3A_145 : i1
      %ne3A_147 = arith.constant 3 : i32
      %ne3A_148 = arith.cmpi ne, %ne3A_147, %select_n3A_109 : i32
      %and3A_149 = arith.andi %and3A_146, %ne3A_148 : i1
      %select_n3A_150 = arith.select %and3A_149, %squeeze3A_11, %select_n3A_140 : f32
      %jit3A_151 = arith.constant 3 : i32
      %select_n3A_152 = arith.select %and3A_149, %jit3A_151, %select_n3A_142 : i32
      %gt3A_153 = arith.cmpf ogt, %squeeze3A_13, %select_n3A_150 : f32
      %ne3A_154 = arith.constant 4 : i32
      %ne3A_155 = arith.cmpi ne, %ne3A_154, %select_n3A_51 : i32
      %and3A_156 = arith.andi %gt3A_153, %ne3A_155 : i1
      %ne3A_157 = arith.constant 4 : i32
      %ne3A_158 = arith.cmpi ne, %ne3A_157, %select_n3A_109 : i32
      %and3A_159 = arith.andi %and3A_156, %ne3A_158 : i1
      %select_n3A_160 = arith.select %and3A_159, %squeeze3A_13, %select_n3A_150 : f32
      %jit3A_161 = arith.constant 4 : i32
      %select_n3A_162 = arith.select %and3A_159, %jit3A_161, %select_n3A_152 : i32
      %gt3A_163 = arith.cmpf ogt, %squeeze3A_15, %select_n3A_160 : f32
      %ne3A_164 = arith.constant 5 : i32
      %ne3A_165 = arith.cmpi ne, %ne3A_164, %select_n3A_51 : i32
      %and3A_166 = arith.andi %gt3A_163, %ne3A_165 : i1
      %ne3A_167 = arith.constant 5 : i32
      %ne3A_168 = arith.cmpi ne, %ne3A_167, %select_n3A_109 : i32
      %and3A_169 = arith.andi %and3A_166, %ne3A_168 : i1
      %select_n3A_170 = arith.select %and3A_169, %squeeze3A_15, %select_n3A_160 : f32
      %jit3A_171 = arith.constant 5 : i32
      %select_n3A_172 = arith.select %and3A_169, %jit3A_171, %select_n3A_162 : i32
      %gt3A_173 = arith.cmpf ogt, %squeeze3A_17, %select_n3A_170 : f32
      %ne3A_174 = arith.constant 6 : i32
      %ne3A_175 = arith.cmpi ne, %ne3A_174, %select_n3A_51 : i32
      %and3A_176 = arith.andi %gt3A_173, %ne3A_175 : i1
      %ne3A_177 = arith.constant 6 : i32
      %ne3A_178 = arith.cmpi ne, %ne3A_177, %select_n3A_109 : i32
      %and3A_179 = arith.andi %and3A_176, %ne3A_178 : i1
      %select_n3A_180 = arith.select %and3A_179, %squeeze3A_17, %select_n3A_170 : f32
      %jit3A_181 = arith.constant 6 : i32
      %select_n3A_182 = arith.select %and3A_179, %jit3A_181, %select_n3A_172 : i32
      %gt3A_183 = arith.cmpf ogt, %squeeze3A_19, %select_n3A_180 : f32
      %ne3A_184 = arith.constant 7 : i32
      %ne3A_185 = arith.cmpi ne, %ne3A_184, %select_n3A_51 : i32
      %and3A_186 = arith.andi %gt3A_183, %ne3A_185 : i1
      %ne3A_187 = arith.constant 7 : i32
      %ne3A_188 = arith.cmpi ne, %ne3A_187, %select_n3A_109 : i32
      %and3A_189 = arith.andi %and3A_186, %ne3A_188 : i1
      %select_n3A_190 = arith.select %and3A_189, %squeeze3A_19, %select_n3A_180 : f32
      %jit3A_191 = arith.constant 7 : i32
      %select_n3A_192 = arith.select %and3A_189, %jit3A_191, %select_n3A_182 : i32
      %sub3A = vector.broadcast %max3A_25 : f32 to vector<16xf32>
      %sub3A_193 = arith.subf %get3A_5, %sub3A : vector<16xf32>
      %exp3A = math.exp %sub3A_193 : vector<16xf32>
      %swap3A = arith.constant 0 : index
      %swap3A_194 = tpu.vector_load %arg8[%swap3A] {strides = array<i32>} : memref<16xf32, #tpu.memory_space<vmem>>, vector<16xf32>,
      %swap3A_195 = vector.shape_cast %swap3A_194 : vector<16xf32> to vector<16xf32>
      %swap3A_196 = vector.shape_cast %exp3A : vector<16xf32> to vector<16xf32>
      tpu.vector_store %arg8[%swap3A], %swap3A_196 {strides = array<i32>} : memref<16xf32, #tpu.memory_space<vmem>>, vector<16xf32>,
      %slice3A_197 = vector.extract_strided_slice %exp3A {offsets = [0], sizes = [1], strides = [1]} : vector<16xf32> to vector<1xf32>
      %squeeze3A_198 = vector.extract %slice3A_197[0] : f32 from vector<1xf32>
      %slice3A_199 = vector.extract_strided_slice %exp3A {offsets = [1], sizes = [1], strides = [1]} : vector<16xf32> to vector<1xf32>
      %squeeze3A_200 = vector.extract %slice3A_199[0] : f32 from vector<1xf32>
      %add3A = arith.addf %squeeze3A_198, %squeeze3A_200 : f32
      %slice3A_201 = vector.extract_strided_slice %exp3A {offsets = [2], sizes = [1], strides = [1]} : vector<16xf32> to vector<1xf32>
      %squeeze3A_202 = vector.extract %slice3A_201[0] : f32 from vector<1xf32>
      %add3A_203 = arith.addf %add3A, %squeeze3A_202 : f32
      %slice3A_204 = vector.extract_strided_slice %exp3A {offsets = [3], sizes = [1], strides = [1]} : vector<16xf32> to vector<1xf32>
      %squeeze3A_205 = vector.extract %slice3A_204[0] : f32 from vector<1xf32>
      %add3A_206 = arith.addf %add3A_203, %squeeze3A_205 : f32
      %slice3A_207 = vector.extract_strided_slice %exp3A {offsets = [4], sizes = [1], strides = [1]} : vector<16xf32> to vector<1xf32>
      %squeeze3A_208 = vector.extract %slice3A_207[0] : f32 from vector<1xf32>
      %add3A_209 = arith.addf %add3A_206, %squeeze3A_208 : f32
      %slice3A_210 = vector.extract_strided_slice %exp3A {offsets = [5], sizes = [1], strides = [1]} : vector<16xf32> to vector<1xf32>
      %squeeze3A_211 = vector.extract %slice3A_210[0] : f32 from vector<1xf32>
      %add3A_212 = arith.addf %add3A_209, %squeeze3A_211 : f32
      %slice3A_213 = vector.extract_strided_slice %exp3A {offsets = [6], sizes = [1], strides = [1]} : vector<16xf32> to vector<1xf32>
      %squeeze3A_214 = vector.extract %slice3A_213[0] : f32 from vector<1xf32>
      %add3A_215 = arith.addf %add3A_212, %squeeze3A_214 : f32
      %slice3A_216 = vector.extract_strided_slice %exp3A {offsets = [7], sizes = [1], strides = [1]} : vector<16xf32> to vector<1xf32>
      %squeeze3A_217 = vector.extract %slice3A_216[0] : f32 from vector<1xf32>
      %add3A_218 = arith.addf %add3A_215, %squeeze3A_217 : f32
      %div3A = vector.broadcast %add3A_218 : f32 to vector<16xf32>
      %div3A_219 = arith.divf %exp3A, %div3A : vector<16xf32>
      %eq3A_220 = vector.broadcast %select_n3A_51 : i32 to vector<16xi32>
      %eq3A_221 = arith.cmpi eq, %iota3A, %eq3A_220 : vector<16xi32>
      %eq3A_222 = vector.broadcast %select_n3A_109 : i32 to vector<16xi32>
      %eq3A_223 = arith.cmpi eq, %iota3A, %eq3A_222 : vector<16xi32>
      %or3A = arith.ori %eq3A_221, %eq3A_223 : vector<16xi1>
      %eq3A_224 = vector.broadcast %select_n3A_192 : i32 to vector<16xi32>
      %eq3A_225 = arith.cmpi eq, %iota3A, %eq3A_224 : vector<16xi32>
      %or3A_226 = arith.ori %or3A, %eq3A_225 : vector<16xi1>
      %jit3A_227 = arith.constant 0xFF800000 : f32
      %broadcast_in_dim3A = vector.broadcast %jit3A_227 : f32 to vector<16xf32>
      %select_n3A_228 = arith.select %or3A_226, %div3A_219, %broadcast_in_dim3A : vector<16xi1>, vector<16xf32>
      %exp3A_229 = math.exp %select_n3A_228 : vector<16xf32>
      %slice3A_230 = vector.extract_strided_slice %exp3A_229 {offsets = [0], sizes = [1], strides = [1]} : vector<16xf32> to vector<1xf32>
      %squeeze3A_231 = vector.extract %slice3A_230[0] : f32 from vector<1xf32>
      %slice3A_232 = vector.extract_strided_slice %exp3A_229 {offsets = [1], sizes = [1], strides = [1]} : vector<16xf32> to vector<1xf32>
      %squeeze3A_233 = vector.extract %slice3A_232[0] : f32 from vector<1xf32>
      %add3A_234 = arith.addf %squeeze3A_231, %squeeze3A_233 : f32
      %slice3A_235 = vector.extract_strided_slice %exp3A_229 {offsets = [2], sizes = [1], strides = [1]} : vector<16xf32> to vector<1xf32>
      %squeeze3A_236 = vector.extract %slice3A_235[0] : f32 from vector<1xf32>
      %add3A_237 = arith.addf %add3A_234, %squeeze3A_236 : f32
      %slice3A_238 = vector.extract_strided_slice %exp3A_229 {offsets = [3], sizes = [1], strides = [1]} : vector<16xf32> to vector<1xf32>
      %squeeze3A_239 = vector.extract %slice3A_238[0] : f32 from vector<1xf32>
      %add3A_240 = arith.addf %add3A_237, %squeeze3A_239 : f32
      %slice3A_241 = vector.extract_strided_slice %exp3A_229 {offsets = [4], sizes = [1], strides = [1]} : vector<16xf32> to vector<1xf32>
      %squeeze3A_242 = vector.extract %slice3A_241[0] : f32 from vector<1xf32>
      %add3A_243 = arith.addf %add3A_240, %squeeze3A_242 : f32
      %slice3A_244 = vector.extract_strided_slice %exp3A_229 {offsets = [5], sizes = [1], strides = [1]} : vector<16xf32> to vector<1xf32>
      %squeeze3A_245 = vector.extract %slice3A_244[0] : f32 from vector<1xf32>
      %add3A_246 = arith.addf %add3A_243, %squeeze3A_245 : f32
      %slice3A_247 = vector.extract_strided_slice %exp3A_229 {offsets = [6], sizes = [1], strides = [1]} : vector<16xf32> to vector<1xf32>
      %squeeze3A_248 = vector.extract %slice3A_247[0] : f32 from vector<1xf32>
      %add3A_249 = arith.addf %add3A_246, %squeeze3A_248 : f32
      %slice3A_250 = vector.extract_strided_slice %exp3A_229 {offsets = [7], sizes = [1], strides = [1]} : vector<16xf32> to vector<1xf32>
      %squeeze3A_251 = vector.extract %slice3A_250[0] : f32 from vector<1xf32>
      %add3A_252 = arith.addf %add3A_249, %squeeze3A_251 : f32
      %div3A_253 = vector.broadcast %add3A_252 : f32 to vector<16xf32>
      %div3A_254 = arith.divf %exp3A_229, %div3A_253 : vector<16xf32>
      %jit3A_255 = arith.constant 0.000000e+00 : f32
      %broadcast_in_dim3A_256 = vector.broadcast %jit3A_255 : f32 to vector<16xf32>
      %select_n3A_257 = arith.select %or3A_226, %div3A_254, %broadcast_in_dim3A_256 : vector<16xi1>, vector<16xf32>
      %swap3A_258 = arith.constant 0 : index
      %swap3A_259 = tpu.vector_load %arg6[%swap3A_258] {strides = array<i32>} : memref<16xf32, #tpu.memory_space<vmem>>, vector<16xf32>,
      %swap3A_260 = vector.shape_cast %swap3A_259 : vector<16xf32> to vector<16xf32>
      %swap3A_261 = vector.shape_cast %select_n3A_257 : vector<16xf32> to vector<16xf32>
      tpu.vector_store %arg6[%swap3A_258], %swap3A_261 {strides = array<i32>} : memref<16xf32, #tpu.memory_space<vmem>>, vector<16xf32>,
      %eq3A_262 = arith.constant 0 : i32
      %eq3A_263 = vector.broadcast %eq3A_262 : i32 to vector<16xi32>
      %eq3A_264 = arith.cmpi eq, %iota3A, %eq3A_263 : vector<16xi32>
      %eq3A_265 = arith.constant 1 : i32
      %eq3A_266 = vector.broadcast %eq3A_265 : i32 to vector<16xi32>
      %eq3A_267 = arith.cmpi eq, %iota3A, %eq3A_266 : vector<16xi32>
      %eq3A_268 = arith.constant 2 : i32
      %eq3A_269 = vector.broadcast %eq3A_268 : i32 to vector<16xi32>
      %eq3A_270 = arith.cmpi eq, %iota3A, %eq3A_269 : vector<16xi32>
      %jit3A_271 = arith.constant 0 : i32
      %broadcast_in_dim3A_272 = vector.broadcast %select_n3A_192 : i32 to vector<16xi32>
      %broadcast_in_dim3A_273 = vector.broadcast %jit3A_271 : i32 to vector<16xi32>
      %select_n3A_274 = arith.select %eq3A_270, %broadcast_in_dim3A_272, %broadcast_in_dim3A_273 : vector<16xi1>, vector<16xi32>
      %broadcast_in_dim3A_275 = vector.broadcast %select_n3A_109 : i32 to vector<16xi32>
      %select_n3A_276 = arith.select %eq3A_267, %broadcast_in_dim3A_275, %select_n3A_274 : vector<16xi1>, vector<16xi32>
      %broadcast_in_dim3A_277 = vector.broadcast %select_n3A_51 : i32 to vector<16xi32>
      %select_n3A_278 = arith.select %eq3A_264, %broadcast_in_dim3A_277, %select_n3A_276 : vector<16xi1>, vector<16xi32>
      %swap3A_279 = arith.constant 0 : index
      %swap3A_280 = tpu.vector_load %arg7[%swap3A_279] {strides = array<i32>} : memref<16xi32, #tpu.memory_space<vmem>>, vector<16xi32>,
      %swap3A_281 = vector.shape_cast %swap3A_280 : vector<16xi32> to vector<16xi32>
      %swap3A_282 = vector.shape_cast %select_n3A_278 : vector<16xi32> to vector<16xi32>
      tpu.vector_store %arg7[%swap3A_279], %swap3A_282 {strides = array<i32>} : memref<16xi32, #tpu.memory_space<vmem>>, vector<16xi32>,
      "tpu.region"() ({
        %run_scoped3A = tpu.sem_alloc : memref<!tpu.dma_semaphore, #tpu.memory_space<semaphore_mem>>
        tpu.enqueue_dma source(%arg6 : memref<16xf32, #tpu.memory_space<vmem>>) target(%arg3 : memref<16xf32, #tpu.memory_space<hbm>>) target_semaphore(%run_scoped3A : memref<!tpu.dma_semaphore, #tpu.memory_space<semaphore_mem>>)
        tpu.wait_dma2 semaphore(%run_scoped3A : memref<!tpu.dma_semaphore, #tpu.memory_space<semaphore_mem>>) src(%arg6 : memref<16xf32, #tpu.memory_space<vmem>>) dst(%arg3 : memref<16xf32, #tpu.memory_space<hbm>>)
        tpu.yield
      }) : () -> ()
      "tpu.region"() ({
        %run_scoped3A = tpu.sem_alloc : memref<!tpu.dma_semaphore, #tpu.memory_space<semaphore_mem>>
        tpu.enqueue_dma source(%arg7 : memref<16xi32, #tpu.memory_space<vmem>>) target(%arg4 : memref<16xi32, #tpu.memory_space<hbm>>) target_semaphore(%run_scoped3A : memref<!tpu.dma_semaphore, #tpu.memory_space<semaphore_mem>>)
        tpu.wait_dma2 semaphore(%run_scoped3A : memref<!tpu.dma_semaphore, #tpu.memory_space<semaphore_mem>>) src(%arg7 : memref<16xi32, #tpu.memory_space<vmem>>) dst(%arg4 : memref<16xi32, #tpu.memory_space<hbm>>)
        tpu.yield
      }) : () -> ()
    } else {
    }
    return
  }
}

module attributes {stable_mosaic.version = 14 : i64} {
  func.func @_stage1(%arg0: memref<2048x768xf32, #tpu.memory_space<vmem>>, %arg1: memref<1x768xf32, #tpu.memory_space<vmem>>, %arg2: memref<2304x768xf32, #tpu.memory_space<vmem>>, %arg3: memref<1x2304xf32, #tpu.memory_space<vmem>>, %arg4: memref<768x768xf32, #tpu.memory_space<vmem>>, %arg5: memref<1x768xf32, #tpu.memory_space<vmem>>, %arg6: memref<384x768xf32, #tpu.memory_space<vmem>>, %arg7: memref<1x384xf32, #tpu.memory_space<vmem>>, %arg8: memref<16x384xf32, #tpu.memory_space<vmem>>, %arg9: memref<1x16xf32, #tpu.memory_space<vmem>>, %arg10: memref<1x768xf32, #tpu.memory_space<vmem>>, %arg11: memref<1x768xf32, #tpu.memory_space<vmem>>, %arg12: memref<1x16xf32, #tpu.memory_space<vmem>>) attributes {dimension_semantics = [], scalar_prefetch = 0 : i64, scratch_operands = 0 : i64, tpu.core_type = #tpu.core_type<tc>} {
    %get3A = arith.constant 0 : index
    %get3A_0 = arith.constant 0 : index
    %get3A_1 = vector.load %arg0[%get3A, %get3A_0] : memref<2048x768xf32, #tpu.memory_space<vmem>>, vector<2048x768xf32>
    %get3A_2 = arith.constant 0 : index
    %get3A_3 = arith.constant 0 : index
    %get3A_4 = vector.load %arg1[%get3A_2, %get3A_3] : memref<1x768xf32, #tpu.memory_space<vmem>>, vector<1x768xf32>
    %add3A = vector.broadcast %get3A_4 : vector<1x768xf32> to vector<2048x768xf32>
    %add3A_5 = arith.addf %get3A_1, %add3A : vector<2048x768xf32>
    %reduce_sum3A = arith.constant dense<0.000000e+00> : vector<768xf32>
    %reduce_sum3A_6 = vector.multi_reduction <add>, %add3A_5, %reduce_sum3A [0] : vector<2048x768xf32> to vector<768xf32>
    %broadcast_in_dim3A = vector.shape_cast %reduce_sum3A_6 : vector<768xf32> to vector<1x768xf32>
    %div3A = arith.constant 2.048000e+03 : f32
    %div3A_7 = vector.broadcast %div3A : f32 to vector<1x768xf32>
    %div3A_8 = arith.divf %broadcast_in_dim3A, %div3A_7 : vector<1x768xf32>
    %swap3A = arith.constant 0 : index
    %swap3A_9 = arith.constant 0 : index
    %swap3A_10 = vector.load %arg11[%swap3A, %swap3A_9] : memref<1x768xf32, #tpu.memory_space<vmem>>, vector<1x768xf32>
    tpu.vector_store %arg11[%swap3A, %swap3A_9], %div3A_8 {strides = array<i32>} : memref<1x768xf32, #tpu.memory_space<vmem>>, vector<1x768xf32>,
    %slice3A = vector.extract_strided_slice %add3A_5 {offsets = [0, 0], sizes = [1, 768], strides = [1, 1]} : vector<2048x768xf32> to vector<1x768xf32>
    %get3A_11 = arith.constant 0 : index
    %get3A_12 = arith.constant 0 : index
    %get3A_13 = vector.load %arg2[%get3A_11, %get3A_12] : memref<2304x768xf32, #tpu.memory_space<vmem>>, vector<768x768xf32>
    %dot_general3A = arith.constant dense<0.000000e+00> : vector<1x768xf32>
    %dot_general3A_14 = tpu.matmul %slice3A, %get3A_13, %dot_general3A {dimension_numbers = #tpu.dot_dimension_numbers<[1], [1], [0], [0], [0, 0, 1, 0], [], []>, transpose_lhs_hint = false} : vector<1x768xf32>, vector<768x768xf32>, vector<1x768xf32> -> vector<1x768xf32>
    %get3A_15 = arith.constant 0 : index
    %get3A_16 = arith.constant 0 : index
    %get3A_17 = vector.load %arg3[%get3A_15, %get3A_16] : memref<1x2304xf32, #tpu.memory_space<vmem>>, vector<1x768xf32>
    %add3A_18 = arith.addf %dot_general3A_14, %get3A_17 : vector<1x768xf32>
    %iota3A = tpu.iota {dimensions = array<i32: 0>} : vector<12x768xi32>
    %iota3A_19 = tpu.iota {dimensions = array<i32: 1>} : vector<12x768xi32>
    %jit3A = arith.constant 64 : i32
    %div3A_20 = vector.broadcast %jit3A : i32 to vector<12x768xi32>
    %div3A_21 = arith.divsi %iota3A_19, %div3A_20 : vector<12x768xi32>
    %sign3A = arith.constant 0 : i32
    %sign3A_22 = vector.broadcast %sign3A : i32 to vector<12x768xi32>
    %sign3A_23 = arith.cmpi sgt, %iota3A_19, %sign3A_22 : vector<12x768xi32>
    %sign3A_24 = arith.extui %sign3A_23 : vector<12x768xi1> to vector<12x768xi32>
    %sign3A_25 = arith.constant 0 : i32
    %sign3A_26 = vector.broadcast %sign3A_25 : i32 to vector<12x768xi32>
    %sign3A_27 = arith.cmpi slt, %iota3A_19, %sign3A_26 : vector<12x768xi32>
    %sign3A_28 = arith.extui %sign3A_27 : vector<12x768xi1> to vector<12x768xi32>
    %sign3A_29 = arith.subi %sign3A_24, %sign3A_28 : vector<12x768xi32>
    %sign3A_30 = arith.constant 0 : i32
    %sign3A_31 = arith.cmpi sgt, %jit3A, %sign3A_30 : i32
    %sign3A_32 = arith.extui %sign3A_31 : i1 to i32
    %sign3A_33 = arith.constant 0 : i32
    %sign3A_34 = arith.cmpi slt, %jit3A, %sign3A_33 : i32
    %sign3A_35 = arith.extui %sign3A_34 : i1 to i32
    %sign3A_36 = arith.subi %sign3A_32, %sign3A_35 : i32
    %ne3A = vector.broadcast %sign3A_36 : i32 to vector<12x768xi32>
    %ne3A_37 = arith.cmpi ne, %sign3A_29, %ne3A : vector<12x768xi32>
    %rem3A = vector.broadcast %jit3A : i32 to vector<12x768xi32>
    %rem3A_38 = arith.remsi %iota3A_19, %rem3A : vector<12x768xi32>
    %ne3A_39 = arith.constant 0 : i32
    %ne3A_40 = vector.broadcast %ne3A_39 : i32 to vector<12x768xi32>
    %ne3A_41 = arith.cmpi ne, %rem3A_38, %ne3A_40 : vector<12x768xi32>
    %and3A = arith.andi %ne3A_37, %ne3A_41 : vector<12x768xi1>
    %sub3A = arith.constant 1 : i32
    %sub3A_42 = vector.broadcast %sub3A : i32 to vector<12x768xi32>
    %sub3A_43 = arith.subi %div3A_21, %sub3A_42 : vector<12x768xi32>
    %select_n3A = arith.select %and3A, %sub3A_43, %div3A_21 : vector<12x768xi1>, vector<12x768xi32>
    %eq3A = arith.cmpi eq, %select_n3A, %iota3A : vector<12x768xi32>
    %jit3A_44 = arith.constant 0.000000e+00 : f32
    %broadcast_in_dim3A_45 = vector.shape_cast %add3A_18 : vector<1x768xf32> to vector<1x768xf32>
    %broadcast_in_dim3A_46 = vector.broadcast %broadcast_in_dim3A_45 : vector<1x768xf32> to vector<12x768xf32>
    %broadcast_in_dim3A_47 = vector.broadcast %jit3A_44 : f32 to vector<12x768xf32>
    %select_n3A_48 = arith.select %eq3A, %broadcast_in_dim3A_46, %broadcast_in_dim3A_47 : vector<12x768xi1>, vector<12x768xf32>
    %get3A_49 = arith.constant 768 : index
    %get3A_50 = arith.constant 0 : index
    %get3A_51 = vector.load %arg2[%get3A_49, %get3A_50] : memref<2304x768xf32, #tpu.memory_space<vmem>>, vector<768x768xf32>
    %dot_general3A_52 = arith.constant dense<0.000000e+00> : vector<12x768xf32>
    %dot_general3A_53 = tpu.matmul %select_n3A_48, %get3A_51, %dot_general3A_52 {dimension_numbers = #tpu.dot_dimension_numbers<[1], [0], [0], [1], [0, 0, 1, 1], [], []>, transpose_lhs_hint = false} : vector<12x768xf32>, vector<768x768xf32>, vector<12x768xf32> -> vector<12x768xf32>
    %dot_general3A_54 = arith.constant dense<0.000000e+00> : vector<2048x12xf32>
    %dot_general3A_55 = tpu.matmul %add3A_5, %dot_general3A_53, %dot_general3A_54 {dimension_numbers = #tpu.dot_dimension_numbers<[1], [1], [0], [0], [0, 0, 1, 0], [], []>, transpose_lhs_hint = false} : vector<2048x768xf32>, vector<12x768xf32>, vector<2048x12xf32> -> vector<2048x12xf32>
    %sqrt3A = arith.constant 6.400000e+01 : f32
    %sqrt3A_56 = math.sqrt %sqrt3A : f32
    %div3A_57 = arith.constant 1.000000e+00 : f32
    %div3A_58 = arith.divf %div3A_57, %sqrt3A_56 : f32
    %mul3A = vector.broadcast %div3A_58 : f32 to vector<2048x12xf32>
    %mul3A_59 = arith.mulf %dot_general3A_55, %mul3A : vector<2048x12xf32>
    %reduce_max3A = arith.constant dense<0xFF800000> : vector<12xf32>
    %reduce_max3A_60 = vector.multi_reduction <maximumf>, %mul3A_59, %reduce_max3A [0] : vector<2048x12xf32> to vector<12xf32>
    %max3A = arith.constant 0xFF800000 : f32
    %max3A_61 = vector.broadcast %max3A : f32 to vector<12xf32>
    %max3A_62 = arith.maximumf %max3A_61, %reduce_max3A_60 : vector<12xf32>
    %broadcast_in_dim3A_63 = vector.shape_cast %max3A_62 : vector<12xf32> to vector<1x12xf32>
    %sub3A_64 = vector.broadcast %broadcast_in_dim3A_63 : vector<1x12xf32> to vector<2048x12xf32>
    %sub3A_65 = arith.subf %mul3A_59, %sub3A_64 : vector<2048x12xf32>
    %exp3A = math.exp %sub3A_65 : vector<2048x12xf32>
    %reduce_sum3A_66 = arith.constant dense<0.000000e+00> : vector<12xf32>
    %reduce_sum3A_67 = vector.multi_reduction <add>, %exp3A, %reduce_sum3A_66 [0] : vector<2048x12xf32> to vector<12xf32>
    %broadcast_in_dim3A_68 = vector.shape_cast %reduce_sum3A_67 : vector<12xf32> to vector<1x12xf32>
    %div3A_69 = vector.broadcast %broadcast_in_dim3A_68 : vector<1x12xf32> to vector<2048x12xf32>
    %div3A_70 = arith.divf %exp3A, %div3A_69 : vector<2048x12xf32>
    %dot_general3A_71 = arith.constant dense<0.000000e+00> : vector<12x768xf32>
    %dot_general3A_72 = tpu.matmul %div3A_70, %add3A_5, %dot_general3A_71 {dimension_numbers = #tpu.dot_dimension_numbers<[0], [0], [1], [1], [0, 1, 1, 1], [], []>, transpose_lhs_hint = false} : vector<2048x12xf32>, vector<2048x768xf32>, vector<12x768xf32> -> vector<12x768xf32>
    %get3A_73 = arith.constant 1536 : index
    %get3A_74 = arith.constant 0 : index
    %get3A_75 = vector.load %arg2[%get3A_73, %get3A_74] : memref<2304x768xf32, #tpu.memory_space<vmem>>, vector<768x768xf32>
    %dot_general3A_76 = arith.constant dense<0.000000e+00> : vector<12x768xf32>
    %dot_general3A_77 = tpu.matmul %dot_general3A_72, %get3A_75, %dot_general3A_76 {dimension_numbers = #tpu.dot_dimension_numbers<[1], [1], [0], [0], [0, 0, 1, 0], [], []>, transpose_lhs_hint = false} : vector<12x768xf32>, vector<768x768xf32>, vector<12x768xf32> -> vector<12x768xf32>
    %jit3A_78 = arith.constant 0.000000e+00 : f32
    %broadcast_in_dim3A_79 = vector.broadcast %jit3A_78 : f32 to vector<12x768xf32>
    %select_n3A_80 = arith.select %eq3A, %dot_general3A_77, %broadcast_in_dim3A_79 : vector<12x768xi1>, vector<12x768xf32>
    %reduce_sum3A_81 = arith.constant dense<0.000000e+00> : vector<768xf32>
    %reduce_sum3A_82 = vector.multi_reduction <add>, %select_n3A_80, %reduce_sum3A_81 [0] : vector<12x768xf32> to vector<768xf32>
    %broadcast_in_dim3A_83 = vector.shape_cast %reduce_sum3A_82 : vector<768xf32> to vector<1x768xf32>
    %get3A_84 = arith.constant 0 : index
    %get3A_85 = arith.constant 1536 : index
    %get3A_86 = vector.load %arg3[%get3A_84, %get3A_85] : memref<1x2304xf32, #tpu.memory_space<vmem>>, vector<1x768xf32>
    %add3A_87 = arith.addf %broadcast_in_dim3A_83, %get3A_86 : vector<1x768xf32>
    %get3A_88 = arith.constant 0 : index
    %get3A_89 = arith.constant 0 : index
    %get3A_90 = vector.load %arg4[%get3A_88, %get3A_89] : memref<768x768xf32, #tpu.memory_space<vmem>>, vector<768x768xf32>
    %dot_general3A_91 = arith.constant dense<0.000000e+00> : vector<1x768xf32>
    %dot_general3A_92 = tpu.matmul %add3A_87, %get3A_90, %dot_general3A_91 {dimension_numbers = #tpu.dot_dimension_numbers<[1], [1], [0], [0], [0, 0, 1, 0], [], []>, transpose_lhs_hint = false} : vector<1x768xf32>, vector<768x768xf32>, vector<1x768xf32> -> vector<1x768xf32>
    %get3A_93 = arith.constant 0 : index
    %get3A_94 = arith.constant 0 : index
    %get3A_95 = vector.load %arg5[%get3A_93, %get3A_94] : memref<1x768xf32, #tpu.memory_space<vmem>>, vector<1x768xf32>
    %add3A_96 = arith.addf %dot_general3A_92, %get3A_95 : vector<1x768xf32>
    %swap3A_97 = arith.constant 0 : index
    %swap3A_98 = arith.constant 0 : index
    %swap3A_99 = vector.load %arg10[%swap3A_97, %swap3A_98] : memref<1x768xf32, #tpu.memory_space<vmem>>, vector<1x768xf32>
    tpu.vector_store %arg10[%swap3A_97, %swap3A_98], %add3A_96 {strides = array<i32>} : memref<1x768xf32, #tpu.memory_space<vmem>>, vector<1x768xf32>,
    %get3A_100 = arith.constant 0 : index
    %get3A_101 = arith.constant 0 : index
    %get3A_102 = vector.load %arg6[%get3A_100, %get3A_101] : memref<384x768xf32, #tpu.memory_space<vmem>>, vector<384x768xf32>
    %dot_general3A_103 = arith.constant dense<0.000000e+00> : vector<1x384xf32>
    %dot_general3A_104 = tpu.matmul %add3A_96, %get3A_102, %dot_general3A_103 {dimension_numbers = #tpu.dot_dimension_numbers<[1], [1], [0], [0], [0, 0, 1, 0], [], []>, transpose_lhs_hint = false} : vector<1x768xf32>, vector<384x768xf32>, vector<1x384xf32> -> vector<1x384xf32>
    %get3A_105 = arith.constant 0 : index
    %get3A_106 = arith.constant 0 : index
    %get3A_107 = vector.load %arg7[%get3A_105, %get3A_106] : memref<1x384xf32, #tpu.memory_space<vmem>>, vector<1x384xf32>
    %add3A_108 = arith.addf %dot_general3A_104, %get3A_107 : vector<1x384xf32>
    %max3A_109 = arith.constant 0.000000e+00 : f32
    %max3A_110 = vector.broadcast %max3A_109 : f32 to vector<1x384xf32>
    %max3A_111 = arith.maximumf %add3A_108, %max3A_110 : vector<1x384xf32>
    %get3A_112 = arith.constant 0 : index
    %get3A_113 = arith.constant 0 : index
    %get3A_114 = vector.load %arg8[%get3A_112, %get3A_113] : memref<16x384xf32, #tpu.memory_space<vmem>>, vector<16x384xf32>
    %dot_general3A_115 = arith.constant dense<0.000000e+00> : vector<1x16xf32>
    %dot_general3A_116 = tpu.matmul %max3A_111, %get3A_114, %dot_general3A_115 {dimension_numbers = #tpu.dot_dimension_numbers<[1], [1], [0], [0], [0, 0, 1, 0], [], []>, transpose_lhs_hint = false} : vector<1x384xf32>, vector<16x384xf32>, vector<1x16xf32> -> vector<1x16xf32>
    %get3A_117 = arith.constant 0 : index
    %get3A_118 = arith.constant 0 : index
    %get3A_119 = vector.load %arg9[%get3A_117, %get3A_118] : memref<1x16xf32, #tpu.memory_space<vmem>>, vector<1x16xf32>
    %add3A_120 = arith.addf %dot_general3A_116, %get3A_119 : vector<1x16xf32>
    %swap3A_121 = arith.constant 0 : index
    %swap3A_122 = arith.constant 0 : index
    %swap3A_123 = vector.load %arg12[%swap3A_121, %swap3A_122] : memref<1x16xf32, #tpu.memory_space<vmem>>, vector<1x16xf32>
    tpu.vector_store %arg12[%swap3A_121, %swap3A_122], %add3A_120 {strides = array<i32>} : memref<1x16xf32, #tpu.memory_space<vmem>>, vector<1x16xf32>,
    return
  }
}

module attributes {stable_mosaic.version = 14 : i64} {
  func.func @_stage2(%arg0: i32, %arg1: i32, %arg2: memref<3xi32, #tpu.memory_space<smem>>, %arg3: memref<1x768xf32, #tpu.memory_space<vmem>>, %arg4: memref<1x16xf32, #tpu.memory_space<vmem>>, %arg5: memref<1x384x768xf32, #tpu.memory_space<vmem>>, %arg6: memref<1x1x384xf32, #tpu.memory_space<vmem>>, %arg7: memref<1x768x384xf32, #tpu.memory_space<vmem>>, %arg8: memref<1x1x768xf32, #tpu.memory_space<vmem>>, %arg9: memref<1x1x768xf32, #tpu.memory_space<vmem>>, %arg10: memref<1x1x768xf32, #tpu.memory_space<vmem>>, %arg11: memref<1x1536xf32, #tpu.memory_space<vmem>>, %arg12: memref<768x128xf32, #tpu.memory_space<vmem>>, %arg13: memref<1x768xf32, #tpu.memory_space<vmem>>, %arg14: memref<384x768xf32, #tpu.memory_space<vmem>>, %arg15: memref<1x384xf32, #tpu.memory_space<vmem>>, %arg16: memref<1x384xf32, #tpu.memory_space<vmem>>, %arg17: memref<1x128xf32, #tpu.memory_space<vmem>>, %arg18: memref<1x768xf32, #tpu.memory_space<vmem>>, %arg19: memref<1x128xf32, #tpu.memory_space<vmem>>, %arg20: memref<1x768xf32, #tpu.memory_space<vmem>>, %arg21: memref<1x768xf32, #tpu.memory_space<vmem>>) attributes {dimension_semantics = [#tpu.dimension_semantics<arbitrary>, #tpu.dimension_semantics<arbitrary>], iteration_bounds = array<i64: 3, 4>, scalar_prefetch = 1 : i64, scratch_operands = 2 : i64, tpu.core_type = #tpu.core_type<tc>, window_params = [{pipeline_mode = #tpu.pipeline_mode<synchronous>, transform_indices = @transform_0, window_bounds = array<i64: 1, 768>}, {pipeline_mode = #tpu.pipeline_mode<synchronous>, transform_indices = @transform_1, window_bounds = array<i64: 1, 16>}, {transform_indices = @transform_2, window_bounds = array<i64: 1, 384, 768>}, {transform_indices = @transform_3, window_bounds = array<i64: 1, 1, 384>}, {transform_indices = @transform_4, window_bounds = array<i64: 1, 768, 384>}, {transform_indices = @transform_5, window_bounds = array<i64: 1, 1, 768>}, {transform_indices = @transform_6, window_bounds = array<i64: 1, 1, 768>}, {transform_indices = @transform_7, window_bounds = array<i64: 1, 1, 768>}, {pipeline_mode = #tpu.pipeline_mode<synchronous>, transform_indices = @transform_8, window_bounds = array<i64: 1, 1536>}, {transform_indices = @transform_9, window_bounds = array<i64: 768, 128>}, {pipeline_mode = #tpu.pipeline_mode<synchronous>, transform_indices = @transform_10, window_bounds = array<i64: 1, 768>}, {pipeline_mode = #tpu.pipeline_mode<synchronous>, transform_indices = @transform_11, window_bounds = array<i64: 384, 768>}, {pipeline_mode = #tpu.pipeline_mode<synchronous>, transform_indices = @transform_12, window_bounds = array<i64: 1, 384>}, {pipeline_mode = #tpu.pipeline_mode<synchronous>, transform_indices = @transform_13, window_bounds = array<i64: 1, 384>}, {pipeline_mode = #tpu.pipeline_mode<synchronous>, transform_indices = @transform_14, window_bounds = array<i64: 1, 128>}, {pipeline_mode = #tpu.pipeline_mode<synchronous>, transform_indices = @transform_15, window_bounds = array<i64: 1, 768>}, {pipeline_mode = #tpu.pipeline_mode<synchronous>, transform_indices = @transform_16, window_bounds = array<i64: 1, 128>}]} {
    %mul3A = arith.constant 4 : i32
    %mul3A_0 = arith.muli %arg0, %mul3A : i32
    %add3A = arith.addi %mul3A_0, %arg1 : i32
    %mul3A_1 = arith.constant 128 : i32
    %mul3A_2 = arith.muli %add3A, %mul3A_1 : i32
    %get3A = arith.constant 0 : index
    %get3A_3 = arith.index_cast %mul3A_2 : i32 to index
    %get3A_4 = vector.load %arg11[%get3A, %get3A_3] : memref<1x1536xf32, #tpu.memory_space<vmem>>, vector<1x128xf32>
    %get3A_5 = arith.constant 0 : index
    %get3A_6 = arith.constant 0 : index
    %get3A_7 = vector.load %arg12[%get3A_5, %get3A_6] : memref<768x128xf32, #tpu.memory_space<vmem>>, vector<768x128xf32>
    %dot_general3A = arith.constant dense<0.000000e+00> : vector<1x768xf32>
    %dot_general3A_8 = tpu.matmul %get3A_4, %get3A_7, %dot_general3A {dimension_numbers = #tpu.dot_dimension_numbers<[1], [1], [0], [0], [0, 0, 1, 0], [], []>, transpose_lhs_hint = false} : vector<1x128xf32>, vector<768x128xf32>, vector<1x768xf32> -> vector<1x768xf32>
    %eq3A = arith.constant 0 : i32
    %eq3A_9 = arith.cmpi eq, %add3A, %eq3A : i32
    %convert_element_type3A = arith.extui %eq3A_9 : i1 to i32
    %cond3A = arith.constant 0 : i32
    %cond3A_10 = arith.cmpi ne, %convert_element_type3A, %cond3A : i32
    scf.if %cond3A_10 {
      %broadcast_in_dim3A = arith.constant 0.000000e+00 : f32
      %broadcast_in_dim3A_73 = vector.broadcast %broadcast_in_dim3A : f32 to vector<1x768xf32>
      %swap3A_74 = arith.constant 0 : index
      %swap3A_75 = arith.constant 0 : index
      %swap3A_76 = vector.load %arg21[%swap3A_74, %swap3A_75] : memref<1x768xf32, #tpu.memory_space<vmem>>, vector<1x768xf32>
      tpu.vector_store %arg21[%swap3A_74, %swap3A_75], %broadcast_in_dim3A_73 {strides = array<i32>} : memref<1x768xf32, #tpu.memory_space<vmem>>, vector<1x768xf32>,
    } else {
    }
    %get3A_11 = arith.constant 0 : index
    %get3A_12 = arith.constant 0 : index
    %get3A_13 = vector.load %arg21[%get3A_11, %get3A_12] : memref<1x768xf32, #tpu.memory_space<vmem>>, vector<1x768xf32>
    %add3A_14 = arith.addf %get3A_13, %dot_general3A_8 : vector<1x768xf32>
    %swap3A = arith.constant 0 : index
    %swap3A_15 = arith.constant 0 : index
    %swap3A_16 = vector.load %arg21[%swap3A, %swap3A_15] : memref<1x768xf32, #tpu.memory_space<vmem>>, vector<1x768xf32>
    tpu.vector_store %arg21[%swap3A, %swap3A_15], %add3A_14 {strides = array<i32>} : memref<1x768xf32, #tpu.memory_space<vmem>>, vector<1x768xf32>,
    %eq3A_17 = arith.constant 11 : i32
    %eq3A_18 = arith.cmpi eq, %add3A, %eq3A_17 : i32
    %convert_element_type3A_19 = arith.extui %eq3A_18 : i1 to i32
    %cond3A_20 = arith.constant 0 : i32
    %cond3A_21 = arith.cmpi ne, %convert_element_type3A_19, %cond3A_20 : i32
    scf.if %cond3A_21 {
      %get3A_73 = arith.constant 0 : index
      %get3A_74 = arith.constant 0 : index
      %get3A_75 = vector.load %arg21[%get3A_73, %get3A_74] : memref<1x768xf32, #tpu.memory_space<vmem>>, vector<1x768xf32>
      %get3A_76 = arith.constant 0 : index
      %get3A_77 = arith.constant 0 : index
      %get3A_78 = vector.load %arg13[%get3A_76, %get3A_77] : memref<1x768xf32, #tpu.memory_space<vmem>>, vector<1x768xf32>
      %add3A_79 = arith.addf %get3A_75, %get3A_78 : vector<1x768xf32>
      %max3A = arith.constant 0.000000e+00 : f32
      %max3A_80 = vector.broadcast %max3A : f32 to vector<1x768xf32>
      %max3A_81 = arith.maximumf %add3A_79, %max3A_80 : vector<1x768xf32>
      %get3A_82 = arith.constant 0 : index
      %get3A_83 = arith.constant 0 : index
      %get3A_84 = vector.load %arg14[%get3A_82, %get3A_83] : memref<384x768xf32, #tpu.memory_space<vmem>>, vector<384x768xf32>
      %dot_general3A_85 = arith.constant dense<0.000000e+00> : vector<1x384xf32>
      %dot_general3A_86 = tpu.matmul %max3A_81, %get3A_84, %dot_general3A_85 {dimension_numbers = #tpu.dot_dimension_numbers<[1], [1], [0], [0], [0, 0, 1, 0], [], []>, transpose_lhs_hint = false} : vector<1x768xf32>, vector<384x768xf32>, vector<1x384xf32> -> vector<1x384xf32>
      %get3A_87 = arith.constant 0 : index
      %get3A_88 = arith.constant 0 : index
      %get3A_89 = vector.load %arg15[%get3A_87, %get3A_88] : memref<1x384xf32, #tpu.memory_space<vmem>>, vector<1x384xf32>
      %add3A_90 = arith.addf %dot_general3A_86, %get3A_89 : vector<1x384xf32>
      %max3A_91 = arith.constant 0.000000e+00 : f32
      %max3A_92 = vector.broadcast %max3A_91 : f32 to vector<1x384xf32>
      %max3A_93 = arith.maximumf %add3A_90, %max3A_92 : vector<1x384xf32>
      %get3A_94 = arith.constant 0 : index
      %get3A_95 = arith.constant 0 : index
      %get3A_96 = vector.load %arg16[%get3A_94, %get3A_95] : memref<1x384xf32, #tpu.memory_space<vmem>>, vector<1x384xf32>
      %mul3A_97 = arith.mulf %max3A_93, %get3A_96 : vector<1x384xf32>
      %broadcast_in_dim3A = arith.constant 1.000000e+00 : f32
      %broadcast_in_dim3A_98 = vector.broadcast %broadcast_in_dim3A : f32 to vector<384x128xf32>
      %dot_general3A_99 = arith.constant dense<0.000000e+00> : vector<1x128xf32>
      %dot_general3A_100 = tpu.matmul %mul3A_97, %broadcast_in_dim3A_98, %dot_general3A_99 {dimension_numbers = #tpu.dot_dimension_numbers<[1], [0], [0], [1], [0, 0, 1, 1], [], []>, transpose_lhs_hint = false} : vector<1x384xf32>, vector<384x128xf32>, vector<1x128xf32> -> vector<1x128xf32>
      %get3A_101 = arith.constant 0 : index
      %get3A_102 = arith.constant 0 : index
      %get3A_103 = vector.load %arg17[%get3A_101, %get3A_102] : memref<1x128xf32, #tpu.memory_space<vmem>>, vector<1x128xf32>
      %add3A_104 = arith.addf %dot_general3A_100, %get3A_103 : vector<1x128xf32>
      %logistic3A = arith.negf %add3A_104 : vector<1x128xf32>
      %logistic3A_105 = math.exp %logistic3A : vector<1x128xf32>
      %logistic3A_106 = arith.constant 1.000000e+00 : f32
      %logistic3A_107 = vector.broadcast %logistic3A_106 : f32 to vector<1x128xf32>
      %logistic3A_108 = arith.addf %logistic3A_107, %logistic3A_105 : vector<1x128xf32>
      %logistic3A_109 = arith.divf %logistic3A_107, %logistic3A_108 : vector<1x128xf32>
      %div3A_110 = arith.divf %logistic3A_109, %logistic3A_109 : vector<1x128xf32>
      %swap3A_111 = arith.constant 0 : index
      %swap3A_112 = arith.constant 0 : index
      %swap3A_113 = vector.load %arg19[%swap3A_111, %swap3A_112] : memref<1x128xf32, #tpu.memory_space<vmem>>, vector<1x128xf32>
      tpu.vector_store %arg19[%swap3A_111, %swap3A_112], %div3A_110 {strides = array<i32>} : memref<1x128xf32, #tpu.memory_space<vmem>>, vector<1x128xf32>,
    } else {
    }
    %get3A_22 = arith.constant 0 : index
    %get3A_23 = arith.constant 0 : index
    %get3A_24 = vector.load %arg3[%get3A_22, %get3A_23] : memref<1x768xf32, #tpu.memory_space<vmem>>, vector<1x768xf32>
    %get3A_25 = arith.constant 0 : index
    %get3A_26 = arith.constant 0 : index
    %get3A_27 = arith.constant 0 : index
    %get3A_28 = vector.load %arg5[%get3A_25, %get3A_26, %get3A_27] : memref<1x384x768xf32, #tpu.memory_space<vmem>>, vector<1x384x768xf32>
    %get3A_29 = vector.shape_cast %get3A_28 : vector<1x384x768xf32> to vector<384x768xf32>
    %dot_general3A_30 = arith.constant dense<0.000000e+00> : vector<1x384xf32>
    %dot_general3A_31 = tpu.matmul %get3A_24, %get3A_29, %dot_general3A_30 {dimension_numbers = #tpu.dot_dimension_numbers<[1], [1], [0], [0], [0, 0, 1, 0], [], []>, transpose_lhs_hint = false} : vector<1x768xf32>, vector<384x768xf32>, vector<1x384xf32> -> vector<1x384xf32>
    %get3A_32 = arith.constant 0 : index
    %get3A_33 = arith.constant 0 : index
    %get3A_34 = arith.constant 0 : index
    %get3A_35 = vector.load %arg6[%get3A_32, %get3A_33, %get3A_34] : memref<1x1x384xf32, #tpu.memory_space<vmem>>, vector<1x1x384xf32>
    %get3A_36 = vector.shape_cast %get3A_35 : vector<1x1x384xf32> to vector<1x384xf32>
    %add3A_37 = arith.addf %dot_general3A_31, %get3A_36 : vector<1x384xf32>
    %mul3A_38 = arith.constant 5.000000e-01 : f32
    %mul3A_39 = vector.broadcast %mul3A_38 : f32 to vector<1x384xf32>
    %mul3A_40 = arith.mulf %mul3A_39, %add3A_37 : vector<1x384xf32>
    %sqrt3A = arith.constant 2.000000e+00 : f32
    %sqrt3A_41 = math.sqrt %sqrt3A : f32
    %div3A = arith.constant 1.000000e+00 : f32
    %div3A_42 = arith.divf %div3A, %sqrt3A_41 : f32
    %mul3A_43 = vector.broadcast %div3A_42 : f32 to vector<1x384xf32>
    %mul3A_44 = arith.mulf %add3A_37, %mul3A_43 : vector<1x384xf32>
    %erf3A = math.erf %mul3A_44 : vector<1x384xf32>
    %add3A_45 = arith.constant 1.000000e+00 : f32
    %add3A_46 = vector.broadcast %add3A_45 : f32 to vector<1x384xf32>
    %add3A_47 = arith.addf %add3A_46, %erf3A : vector<1x384xf32>
    %mul3A_48 = arith.mulf %mul3A_40, %add3A_47 : vector<1x384xf32>
    %get3A_49 = arith.constant 0 : index
    %get3A_50 = arith.constant 0 : index
    %get3A_51 = arith.constant 0 : index
    %get3A_52 = vector.load %arg7[%get3A_49, %get3A_50, %get3A_51] : memref<1x768x384xf32, #tpu.memory_space<vmem>>, vector<1x768x384xf32>
    %get3A_53 = vector.shape_cast %get3A_52 : vector<1x768x384xf32> to vector<768x384xf32>
    %dot_general3A_54 = arith.constant dense<0.000000e+00> : vector<1x768xf32>
    %dot_general3A_55 = tpu.matmul %mul3A_48, %get3A_53, %dot_general3A_54 {dimension_numbers = #tpu.dot_dimension_numbers<[1], [1], [0], [0], [0, 0, 1, 0], [], []>, transpose_lhs_hint = false} : vector<1x384xf32>, vector<768x384xf32>, vector<1x768xf32> -> vector<1x768xf32>
    %eq3A_56 = arith.constant 0 : i32
    %eq3A_57 = arith.cmpi eq, %arg1, %eq3A_56 : i32
    %convert_element_type3A_58 = arith.extui %eq3A_57 : i1 to i32
    %cond3A_59 = arith.constant 0 : i32
    %cond3A_60 = arith.cmpi ne, %convert_element_type3A_58, %cond3A_59 : i32
    scf.if %cond3A_60 {
      %broadcast_in_dim3A = arith.constant 0.000000e+00 : f32
      %broadcast_in_dim3A_73 = vector.broadcast %broadcast_in_dim3A : f32 to vector<1x768xf32>
      %swap3A_74 = arith.constant 0 : index
      %swap3A_75 = arith.constant 0 : index
      %swap3A_76 = vector.load %arg20[%swap3A_74, %swap3A_75] : memref<1x768xf32, #tpu.memory_space<vmem>>, vector<1x768xf32>
      tpu.vector_store %arg20[%swap3A_74, %swap3A_75], %broadcast_in_dim3A_73 {strides = array<i32>} : memref<1x768xf32, #tpu.memory_space<vmem>>, vector<1x768xf32>,
    } else {
    }
    %get3A_61 = arith.constant 0 : index
    %get3A_62 = arith.constant 0 : index
    %get3A_63 = vector.load %arg20[%get3A_61, %get3A_62] : memref<1x768xf32, #tpu.memory_space<vmem>>, vector<1x768xf32>
    %add3A_64 = arith.addf %get3A_63, %dot_general3A_55 : vector<1x768xf32>
    %swap3A_65 = arith.constant 0 : index
    %swap3A_66 = arith.constant 0 : index
    %swap3A_67 = vector.load %arg20[%swap3A_65, %swap3A_66] : memref<1x768xf32, #tpu.memory_space<vmem>>, vector<1x768xf32>
    tpu.vector_store %arg20[%swap3A_65, %swap3A_66], %add3A_64 {strides = array<i32>} : memref<1x768xf32, #tpu.memory_space<vmem>>, vector<1x768xf32>,
    %eq3A_68 = arith.constant 3 : i32
    %eq3A_69 = arith.cmpi eq, %arg1, %eq3A_68 : i32
    %convert_element_type3A_70 = arith.extui %eq3A_69 : i1 to i32
    %cond3A_71 = arith.constant 0 : i32
    %cond3A_72 = arith.cmpi ne, %convert_element_type3A_70, %cond3A_71 : i32
    scf.if %cond3A_72 {
      %get3A_73 = arith.constant 0 : index
      %get3A_74 = arith.constant 0 : index
      %get3A_75 = vector.load %arg20[%get3A_73, %get3A_74] : memref<1x768xf32, #tpu.memory_space<vmem>>, vector<1x768xf32>
      %get3A_76 = arith.constant 0 : index
      %get3A_77 = arith.constant 0 : index
      %get3A_78 = arith.constant 0 : index
      %get3A_79 = vector.load %arg8[%get3A_76, %get3A_77, %get3A_78] : memref<1x1x768xf32, #tpu.memory_space<vmem>>, vector<1x1x768xf32>
      %get3A_80 = vector.shape_cast %get3A_79 : vector<1x1x768xf32> to vector<1x768xf32>
      %add3A_81 = arith.addf %get3A_75, %get3A_80 : vector<1x768xf32>
      %reduce_sum3A = arith.constant dense<0.000000e+00> : vector<1xf32>
      %reduce_sum3A_82 = vector.multi_reduction <add>, %add3A_81, %reduce_sum3A [1] : vector<1x768xf32> to vector<1xf32>
      %broadcast_in_dim3A = vector.shape_cast %reduce_sum3A_82 : vector<1xf32> to vector<1x1xf32>
      %div3A_83 = arith.constant 7.680000e+02 : f32
      %div3A_84 = vector.broadcast %div3A_83 : f32 to vector<1x1xf32>
      %div3A_85 = arith.divf %broadcast_in_dim3A, %div3A_84 : vector<1x1xf32>
      %sub3A = vector.broadcast %div3A_85 : vector<1x1xf32> to vector<1x768xf32>
      %sub3A_86 = arith.subf %add3A_81, %sub3A : vector<1x768xf32>
      %mul3A_87 = arith.mulf %sub3A_86, %sub3A_86 : vector<1x768xf32>
      %reduce_sum3A_88 = arith.constant dense<0.000000e+00> : vector<1xf32>
      %reduce_sum3A_89 = vector.multi_reduction <add>, %mul3A_87, %reduce_sum3A_88 [1] : vector<1x768xf32> to vector<1xf32>
      %broadcast_in_dim3A_90 = vector.shape_cast %reduce_sum3A_89 : vector<1xf32> to vector<1x1xf32>
      %div3A_91 = arith.constant 7.680000e+02 : f32
      %div3A_92 = vector.broadcast %div3A_91 : f32 to vector<1x1xf32>
      %div3A_93 = arith.divf %broadcast_in_dim3A_90, %div3A_92 : vector<1x1xf32>
      %add3A_94 = arith.constant 9.99999974E-6 : f32
      %add3A_95 = vector.broadcast %add3A_94 : f32 to vector<1x1xf32>
      %add3A_96 = arith.addf %div3A_93, %add3A_95 : vector<1x1xf32>
      %sqrt3A_97 = math.sqrt %add3A_96 : vector<1x1xf32>
      %div3A_98 = vector.broadcast %sqrt3A_97 : vector<1x1xf32> to vector<1x768xf32>
      %div3A_99 = arith.divf %sub3A_86, %div3A_98 : vector<1x768xf32>
      %get3A_100 = arith.constant 0 : index
      %get3A_101 = arith.constant 0 : index
      %get3A_102 = arith.constant 0 : index
      %get3A_103 = vector.load %arg9[%get3A_100, %get3A_101, %get3A_102] : memref<1x1x768xf32, #tpu.memory_space<vmem>>, vector<1x1x768xf32>
      %get3A_104 = vector.shape_cast %get3A_103 : vector<1x1x768xf32> to vector<1x768xf32>
      %mul3A_105 = arith.mulf %div3A_99, %get3A_104 : vector<1x768xf32>
      %get3A_106 = arith.constant 0 : index
      %get3A_107 = arith.constant 0 : index
      %get3A_108 = arith.constant 0 : index
      %get3A_109 = vector.load %arg10[%get3A_106, %get3A_107, %get3A_108] : memref<1x1x768xf32, #tpu.memory_space<vmem>>, vector<1x1x768xf32>
      %get3A_110 = vector.shape_cast %get3A_109 : vector<1x1x768xf32> to vector<1x768xf32>
      %add3A_111 = arith.addf %mul3A_105, %get3A_110 : vector<1x768xf32>
      %iota3A = tpu.iota {dimensions = array<i32: 1>} : vector<1x16xi32>
      %get3A_112 = arith.index_cast %arg0 : i32 to index
      %get3A_113 = memref.load %arg2[%get3A_112] : memref<3xi32, #tpu.memory_space<smem>>
      %eq3A_114 = vector.broadcast %get3A_113 : i32 to vector<1x16xi32>
      %eq3A_115 = arith.cmpi eq, %iota3A, %eq3A_114 : vector<1x16xi32>
      %get3A_116 = arith.constant 0 : index
      %get3A_117 = arith.constant 0 : index
      %get3A_118 = vector.load %arg4[%get3A_116, %get3A_117] : memref<1x16xf32, #tpu.memory_space<vmem>>, vector<1x16xf32>
      %jit3A = arith.constant 0.000000e+00 : f32
      %broadcast_in_dim3A_119 = vector.broadcast %jit3A : f32 to vector<1x16xf32>
      %select_n3A = arith.select %eq3A_115, %get3A_118, %broadcast_in_dim3A_119 : vector<1x16xi1>, vector<1x16xf32>
      %reduce_sum3A_120 = vector.shape_cast %select_n3A : vector<1x16xf32> to vector<1x1x16xf32>
      %reduce_sum3A_121 = arith.constant dense<0.000000e+00> : vector<1xf32>
      %reduce_sum3A_122 = vector.multi_reduction <add>, %reduce_sum3A_120, %reduce_sum3A_121 [1, 2] : vector<1x1x16xf32> to vector<1xf32>
      %reduce_sum3A_123 = vector.shape_cast %reduce_sum3A_122 : vector<1xf32> to vector<1x1x1xf32>
      %reduce_sum3A_124 = vector.extract %reduce_sum3A_123[0, 0, 0] : f32 from vector<1x1x1xf32>
      %eq3A_125 = arith.constant 0 : i32
      %eq3A_126 = arith.cmpi eq, %arg0, %eq3A_125 : i32
      %convert_element_type3A_127 = arith.extui %eq3A_126 : i1 to i32
      %cond3A_128 = arith.constant 0 : i32
      %cond3A_129 = arith.cmpi ne, %convert_element_type3A_127, %cond3A_128 : i32
      scf.if %cond3A_129 {
        %broadcast_in_dim3A_139 = arith.constant 0.000000e+00 : f32
        %broadcast_in_dim3A_140 = vector.broadcast %broadcast_in_dim3A_139 : f32 to vector<1x768xf32>
        %swap3A_141 = arith.constant 0 : index
        %swap3A_142 = arith.constant 0 : index
        %swap3A_143 = vector.load %arg18[%swap3A_141, %swap3A_142] : memref<1x768xf32, #tpu.memory_space<vmem>>, vector<1x768xf32>
        tpu.vector_store %arg18[%swap3A_141, %swap3A_142], %broadcast_in_dim3A_140 {strides = array<i32>} : memref<1x768xf32, #tpu.memory_space<vmem>>, vector<1x768xf32>,
      } else {
      }
      %get3A_130 = arith.constant 0 : index
      %get3A_131 = arith.constant 0 : index
      %get3A_132 = vector.load %arg18[%get3A_130, %get3A_131] : memref<1x768xf32, #tpu.memory_space<vmem>>, vector<1x768xf32>
      %mul3A_133 = vector.broadcast %reduce_sum3A_124 : f32 to vector<1x768xf32>
      %mul3A_134 = arith.mulf %mul3A_133, %add3A_111 : vector<1x768xf32>
      %add3A_135 = arith.addf %get3A_132, %mul3A_134 : vector<1x768xf32>
      %swap3A_136 = arith.constant 0 : index
      %swap3A_137 = arith.constant 0 : index
      %swap3A_138 = vector.load %arg18[%swap3A_136, %swap3A_137] : memref<1x768xf32, #tpu.memory_space<vmem>>, vector<1x768xf32>
      tpu.vector_store %arg18[%swap3A_136, %swap3A_137], %add3A_135 {strides = array<i32>} : memref<1x768xf32, #tpu.memory_space<vmem>>, vector<1x768xf32>,
    } else {
    }
    return
  }
  func.func @transform_0(%arg0: i32, %arg1: i32, %arg2: memref<3xi32, #tpu.memory_space<smem>>) -> (i32, i32) {
    %c0_i32 = arith.constant 0 : i32
    %c0_i32_0 = arith.constant 0 : i32
    %c0_i32_1 = arith.constant 0 : i32
    return %c0_i32, %c0_i32_0 : i32, i32
  }
  func.func @transform_1(%arg0: i32, %arg1: i32, %arg2: memref<3xi32, #tpu.memory_space<smem>>) -> (i32, i32) {
    %c0_i32 = arith.constant 0 : i32
    %c0_i32_0 = arith.constant 0 : i32
    %c0_i32_1 = arith.constant 0 : i32
    return %c0_i32, %c0_i32_0 : i32, i32
  }
  func.func @transform_2(%arg0: i32, %arg1: i32, %arg2: memref<3xi32, #tpu.memory_space<smem>>) -> (i32, i32, i32) {
    %get3A = arith.index_cast %arg0 : i32 to index
    %get3A_0 = memref.load %arg2[%get3A] : memref<3xi32, #tpu.memory_space<smem>>
    %c0_i32 = arith.constant 0 : i32
    %c0_i32_1 = arith.constant 0 : i32
    return %get3A_0, %arg1, %c0_i32 : i32, i32, i32
  }
  func.func @transform_3(%arg0: i32, %arg1: i32, %arg2: memref<3xi32, #tpu.memory_space<smem>>) -> (i32, i32, i32) {
    %get3A = arith.index_cast %arg0 : i32 to index
    %get3A_0 = memref.load %arg2[%get3A] : memref<3xi32, #tpu.memory_space<smem>>
    %c0_i32 = arith.constant 0 : i32
    %c0_i32_1 = arith.constant 0 : i32
    return %get3A_0, %c0_i32, %arg1 : i32, i32, i32
  }
  func.func @transform_4(%arg0: i32, %arg1: i32, %arg2: memref<3xi32, #tpu.memory_space<smem>>) -> (i32, i32, i32) {
    %get3A = arith.index_cast %arg0 : i32 to index
    %get3A_0 = memref.load %arg2[%get3A] : memref<3xi32, #tpu.memory_space<smem>>
    %c0_i32 = arith.constant 0 : i32
    %c0_i32_1 = arith.constant 0 : i32
    return %get3A_0, %c0_i32, %arg1 : i32, i32, i32
  }
  func.func @transform_5(%arg0: i32, %arg1: i32, %arg2: memref<3xi32, #tpu.memory_space<smem>>) -> (i32, i32, i32) {
    %get3A = arith.index_cast %arg0 : i32 to index
    %get3A_0 = memref.load %arg2[%get3A] : memref<3xi32, #tpu.memory_space<smem>>
    %c0_i32 = arith.constant 0 : i32
    %c0_i32_1 = arith.constant 0 : i32
    %c0_i32_2 = arith.constant 0 : i32
    return %get3A_0, %c0_i32, %c0_i32_1 : i32, i32, i32
  }
  func.func @transform_6(%arg0: i32, %arg1: i32, %arg2: memref<3xi32, #tpu.memory_space<smem>>) -> (i32, i32, i32) {
    %get3A = arith.index_cast %arg0 : i32 to index
    %get3A_0 = memref.load %arg2[%get3A] : memref<3xi32, #tpu.memory_space<smem>>
    %c0_i32 = arith.constant 0 : i32
    %c0_i32_1 = arith.constant 0 : i32
    %c0_i32_2 = arith.constant 0 : i32
    return %get3A_0, %c0_i32, %c0_i32_1 : i32, i32, i32
  }
  func.func @transform_7(%arg0: i32, %arg1: i32, %arg2: memref<3xi32, #tpu.memory_space<smem>>) -> (i32, i32, i32) {
    %get3A = arith.index_cast %arg0 : i32 to index
    %get3A_0 = memref.load %arg2[%get3A] : memref<3xi32, #tpu.memory_space<smem>>
    %c0_i32 = arith.constant 0 : i32
    %c0_i32_1 = arith.constant 0 : i32
    %c0_i32_2 = arith.constant 0 : i32
    return %get3A_0, %c0_i32, %c0_i32_1 : i32, i32, i32
  }
  func.func @transform_8(%arg0: i32, %arg1: i32, %arg2: memref<3xi32, #tpu.memory_space<smem>>) -> (i32, i32) {
    %c0_i32 = arith.constant 0 : i32
    %c0_i32_0 = arith.constant 0 : i32
    %c0_i32_1 = arith.constant 0 : i32
    return %c0_i32, %c0_i32_0 : i32, i32
  }
  func.func @transform_9(%arg0: i32, %arg1: i32, %arg2: memref<3xi32, #tpu.memory_space<smem>>) -> (i32, i32) {
    %mul3A = arith.constant 4 : i32
    %mul3A_0 = arith.muli %arg0, %mul3A : i32
    %add3A = arith.addi %mul3A_0, %arg1 : i32
    %c0_i32 = arith.constant 0 : i32
    %c0_i32_1 = arith.constant 0 : i32
    return %c0_i32, %add3A : i32, i32
  }
  func.func @transform_10(%arg0: i32, %arg1: i32, %arg2: memref<3xi32, #tpu.memory_space<smem>>) -> (i32, i32) {
    %c0_i32 = arith.constant 0 : i32
    %c0_i32_0 = arith.constant 0 : i32
    %c0_i32_1 = arith.constant 0 : i32
    return %c0_i32, %c0_i32_0 : i32, i32
  }
  func.func @transform_11(%arg0: i32, %arg1: i32, %arg2: memref<3xi32, #tpu.memory_space<smem>>) -> (i32, i32) {
    %c0_i32 = arith.constant 0 : i32
    %c0_i32_0 = arith.constant 0 : i32
    %c0_i32_1 = arith.constant 0 : i32
    return %c0_i32, %c0_i32_0 : i32, i32
  }
  func.func @transform_12(%arg0: i32, %arg1: i32, %arg2: memref<3xi32, #tpu.memory_space<smem>>) -> (i32, i32) {
    %c0_i32 = arith.constant 0 : i32
    %c0_i32_0 = arith.constant 0 : i32
    %c0_i32_1 = arith.constant 0 : i32
    return %c0_i32, %c0_i32_0 : i32, i32
  }
  func.func @transform_13(%arg0: i32, %arg1: i32, %arg2: memref<3xi32, #tpu.memory_space<smem>>) -> (i32, i32) {
    %c0_i32 = arith.constant 0 : i32
    %c0_i32_0 = arith.constant 0 : i32
    %c0_i32_1 = arith.constant 0 : i32
    return %c0_i32, %c0_i32_0 : i32, i32
  }
  func.func @transform_14(%arg0: i32, %arg1: i32, %arg2: memref<3xi32, #tpu.memory_space<smem>>) -> (i32, i32) {
    %c0_i32 = arith.constant 0 : i32
    %c0_i32_0 = arith.constant 0 : i32
    %c0_i32_1 = arith.constant 0 : i32
    return %c0_i32, %c0_i32_0 : i32, i32
  }
  func.func @transform_15(%arg0: i32, %arg1: i32, %arg2: memref<3xi32, #tpu.memory_space<smem>>) -> (i32, i32) {
    %c0_i32 = arith.constant 0 : i32
    %c0_i32_0 = arith.constant 0 : i32
    %c0_i32_1 = arith.constant 0 : i32
    return %c0_i32, %c0_i32_0 : i32, i32
  }
  func.func @transform_16(%arg0: i32, %arg1: i32, %arg2: memref<3xi32, #tpu.memory_space<smem>>) -> (i32, i32) {
    %c0_i32 = arith.constant 0 : i32
    %c0_i32_0 = arith.constant 0 : i32
    %c0_i32_1 = arith.constant 0 : i32
    return %c0_i32, %c0_i32_0 : i32, i32
  }
}

</mosaic_0001>

<sc_bundles>
// kernel: kernel.5.cloned.1.call-start
scs
__scs_entry_jumppad:
0x0: {  	(pc) =	sbr.rel $0x88, $3  }
0x1: {  	(tag) =	ssettag $0x0;
	lr =	simm.s32 $0x1  }
0x2: {  	[smem:$0x3F8A] =	sst lr;
	_ =	strace $0xD0000000  }
0x3: {  	_ = 	snop  }
0x4: {  	_ = 	snop  }
0x5: {  	_ = 	snop  }
0x6: {  	_ = 	snop  }
0x7: {  	_ = 	snop  }
__scs_overlays_trampoline_lowered:
0x8: {  	[smem:$0x3F99] =	sst s0  }
0x9: {  	[smem:$0x3F9A] =	sst s1  }
0xa: {  	[smem:$0x3F9B] =	sst s2  }
0xb: {  	[smem:$0x3F9C] =	sst s3  }
0xc: {  	[smem:$0x3F9D] =	sst s4  }
0xd: {  	[smem:$0x3F9E] =	sst s5  }
0xe: {  	[smem:$0x3F9F] =	sst s6  }
0xf: {  	[smem:$0x3FA0] =	sst s7  }
0x10: {  	[smem:$0x3FA1] =	sst s8  }
0x11: {  	[smem:$0x3FA2] =	sst s9;
	s0 =	simm.s32 @!p0 $0x0  }
0x12: {  	s1 =	sld [smem:$0x3F88];
	s0 =	simm.s32 @p0 $0x1  }
0x13: {  	[smem:$0x3FA3] =	sst s0;
	s0 =	simm.s32 @!p1 $0x0  }
0x14: {  	s2 =	sld [smem:$0x3F87];
	s0 =	simm.s32 @p1 $0x1  }
0x15: {  	[smem:$0x3FA4] =	sst s0;
	s0 =	simm.s32 @!p2 $0x0  }
0x16: {  	s3 =	sld [smem:$0x3FDB];
	s0 =	simm.s32 @p2 $0x1  }
0x17: {  	s4 =	simm.s32 $0x1BF5;
	[smem:$0x3FA6] =	sst s0  }
0x18: {  	s0 =	sld [smem:$0x3F89];
	_ =	swait.ge [sflag:s4], $0x0  }
0x19: {  	s7 =	sld [smem:$0x3F8A]  }
0x1a: {  	s8 =	sadd.s32 $0xFFFFE003, lr  }
0x1b: {  	s9 =	sadd.s32 $0xFFFFFEF7, lr;
	s5 =	simm.s32 $0xFFFFFFFF;
	p2 =	slt.u32 s8, $0xFFFFF086  }
0x1c: {  	p1 =	slt.u32 s9, $0xF7A;
	s5 =	simm.s32 @!p2 $0x0  }
0x1d: {  	s5 =	simm.s32 @p1 $0x1;
	p0 =	seq.s32 s7, s2  }
0x1e: {  	s7 =	smul.u32 @!p0 $0xF7A, s2;
	p2 =	seq.s32 @!p0 s5, $0x0  }
0x1f: {  	s9 =	smul.u32 $0xF7A, s1;
	s8 =	simm.s32 @!p0 $0x1BF5;
	p2 =	por !p2, p0  }
0x20: {  	[sflag:s8] =	ssyncset.s32 @!p0 $0xFFFFF086;
	s6 =	sadd.s32 @!p0 s3, s7;
	s7 =	simm.s32 @!p0 $0x108  }
0x21: {  	s3 =	sadd.s32 s3, s9;
	s6 =	sadd.s32 @!p0 $0x88, s6;
	s7 =	simm.s32 @p2 $0x1082  }
0x22: {  	[simem:s7], [sflag:s8] =	dma.local @!p0 [hbm:s6], $0xF7A  }
0x23: {  	s9 =	sor.u32 $0xD0000000, s2;
	s6 =	simm.s32 $0x108;
	_ =	swait.ge @!p0 [sflag:s8], $0x0  }
0x24: {  	s3 =	sadd.s32 $0x88, s3;
	s6 =	simm.s32 @!p1 $0x1082;
	[sflag:s4] =	ssyncset.s32 $0xFFFFF086  }
0x25: {  	[simem:s6], [sflag:s4] =	dma.local [hbm:s3], $0xF7A  }
0x26: {  	[smem:$0x3F8A] =	sst s1;
	(tag) =	ssettag s2;
	_ =	strace s9  }
0x27: {  	s1 =	sld [smem:$0x3F9A]  }
0x28: {  	s2 =	sld [smem:$0x3F9B]  }
0x29: {  	s4 =	sld [smem:$0x3F9D]  }
0x2a: {  	p0 =	seq.s32 s5, $0x0;
	s5 =	sld [smem:$0x3F9E]  }
0x2b: {  	s6 =	sld [smem:$0x3F9F]  }
0x2c: {  	s7 =	sld [smem:$0x3FA0]  }
0x2d: {  	s3 =	simm.s32 $0x108;
	s8 =	sld [smem:$0x3FA1]  }
0x2e: {  	s3 =	simm.s32 @!p0 $0x1082;
	s9 =	sld [smem:$0x3FA2]  }
0x2f: {  	lr =	sadd.s32 s0, s3;
	s0 =	sld [smem:$0x3F99]  }
0x30: {  	s3 =	sld [smem:$0x3F9C]  }
0x31: {  	[smem:$0x3FA5] =	sst s10  }
0x32: {  	s10 =	sld [smem:$0x3FA3];
	_ =	sdelay $0x3  }
0x33: {  	p0 =	seq.s32 s10, $0x1;
	s10 =	sld [smem:$0x3FA5];
	_ =	sdelay $0x3  }
0x34: {  	[smem:$0x3FA5] =	sst s10  }
0x35: {  	s10 =	sld [smem:$0x3FA4];
	_ =	sdelay $0x3  }
0x36: {  	p1 =	seq.s32 s10, $0x1;
	s10 =	sld [smem:$0x3FA5];
	_ =	sdelay $0x3  }
0x37: {  	[smem:$0x3FA5] =	sst s10  }
0x38: {  	s10 =	sld [smem:$0x3FA6]  }
0x39: {  	_ = 	snop;
	(pc) =	sbr.ind lr, $3  }
0x3a: {  	_ = 	snop  }
0x3b: {  	_ = 	snop  }
0x3c: {  	p2 =	seq.s32 s10, $0x1;
	s10 =	sld [smem:$0x3FA5]  }
0x3d: {  	_ =	shalt  }
0x3e: {  	_ =	shalt  }
0x3f: {  	_ =	shalt  }
0x40: {  	_ =	shalt  }
0x41: {  	_ =	shalt  }
0x42: {  	_ =	shalt  }
0x43: {  	_ =	shalt  }
0x44: {  	_ =	shalt  }
0x45: {  	_ =	shalt  }
0x46: {  	_ =	shalt  }
0x47: {  	_ =	shalt  }
0x48: {  	_ =	shalt  }
0x49: {  	_ =	shalt  }
0x4a: {  	_ =	shalt  }
0x4b: {  	_ =	shalt  }
0x4c: {  	_ =	shalt  }
0x4d: {  	_ =	shalt  }
0x4e: {  	_ =	shalt  }
0x4f: {  	_ =	shalt  }
0x50: {  	_ =	shalt  }
0x51: {  	_ =	shalt  }
0x52: {  	_ =	shalt  }
0x53: {  	_ =	shalt  }
0x54: {  	_ =	shalt  }
0x55: {  	_ =	shalt  }
0x56: {  	_ =	shalt  }
0x57: {  	_ =	shalt  }
0x58: {  	_ =	shalt  }
0x59: {  	_ =	shalt  }
0x5a: {  	_ =	shalt  }
0x5b: {  	_ =	shalt  }
0x5c: {  	_ =	shalt  }
0x5d: {  	_ =	shalt  }
0x5e: {  	_ =	shalt  }
0x5f: {  	_ =	shalt  }
0x60: {  	_ =	shalt  }
0x61: {  	_ =	shalt  }
0x62: {  	_ =	shalt  }
0x63: {  	_ =	shalt  }
0x64: {  	_ =	shalt  }
0x65: {  	_ =	shalt  }
0x66: {  	_ =	shalt  }
0x67: {  	_ =	shalt  }
0x68: {  	_ =	shalt  }
0x69: {  	_ =	shalt  }
0x6a: {  	_ =	shalt  }
0x6b: {  	_ =	shalt  }
0x6c: {  	_ =	shalt  }
0x6d: {  	_ =	shalt  }
0x6e: {  	_ =	shalt  }
0x6f: {  	_ =	shalt  }
0x70: {  	_ =	shalt  }
0x71: {  	_ =	shalt  }
0x72: {  	_ =	shalt  }
0x73: {  	_ =	shalt  }
0x74: {  	_ =	shalt  }
0x75: {  	_ =	shalt  }
0x76: {  	_ =	shalt  }
0x77: {  	_ =	shalt  }
0x78: {  	_ =	shalt  }
0x79: {  	_ =	shalt  }
0x7a: {  	_ =	shalt  }
0x7b: {  	_ =	shalt  }
0x7c: {  	_ =	shalt  }
0x7d: {  	_ =	shalt  }
0x7e: {  	_ =	shalt  }
0x7f: {  	_ =	shalt  }
0x80: {  	_ =	shalt  }
0x81: {  	_ =	shalt  }
0x82: {  	_ =	shalt  }
0x83: {  	_ =	shalt  }
0x84: {  	_ =	shalt  }
0x85: {  	_ =	shalt  }
0x86: {  	_ =	shalt  }
0x87: {  	_ =	shalt  }
.Lfunc_end0:
.L_simem_size_0:
called_computation_lowered:
.L_overlay_start_0:
0x88: {  	s2 =	sld [smem:$0x3FD9]  }
0x89: {  	s3 =	sld [smem:$0x3FFE];
	_ =	sdelay $0x1  }
0x8a: {  	s1 =	srdreg.scid  }
0x8b: {  	s0 =	sand.u32 $0x1, s1  }
0x8c: {  	s14 =	sshll.u32 s0, $0xA;
	s2 =	sadd.s32 s3, s2  }
0x8d: {  	s2 =	sadd.s32 s2, s14  }
0x8e: {  	[smem:$0x3FB1] =	sst s2  }
0x8f: {  	_ = 	snop  }
0x90: {  	s2 =	sld [smem:$0x3FD0];
	_ =	sdelay $0x2  }
0x91: {  	s15 =	simm.s32 $0xA;
	s4 =	simm.s32 $0x10  }
0x92: {  	[smem:s4], [sflag:s15] =	dma.local [hbm:s2], $0x1  }
0x93: {  	_ =	swait.eq [sflag:s15], $0x1  }
0x94: {  	[sflag:s15] =	ssyncset.done $0x0  }
0x95: {  	[sflag:s15] =	ssyncadd.s32 $0xFFFFFFFF  }
0x96: {  	s16 =	sld [smem:$0x11];
	(tm) =	ssettm $0x1  }
0x97: {  	s17 =	sld [smem:$0x3FFB];
	_ =	sdelay $0x3  }
0x98: {  	_ =	strace s17  }
0x99: {  	s3 =	sld [smem:$0x3FFC];
	_ =	sdelay $0x3  }
0x9a: {  	_ =	strace s3  }
0x9b: {  	s3 =	sld [smem:$0x3FFD];
	_ =	sdelay $0x3  }
0x9c: {  	_ =	strace s3  }
0x9d: {  	_ =	strace $0x8FFFFFFF  }
0x9e: {  	s18 =	sld [smem:$0x3FDB];
	_ =	sdelay $0x1  }
0x9f: {  	s19 =	simm.s32 $_scs_section_size  }
0xa0: {  	s5 =	simm.s32 $_size__tile_overlayer_lowered;
	s6 =	simm.s32 $_tile_overlayer_lowered  }
0xa1: {  	s22 =	simm.s32 $0x1BFF;
	s21 =	sshll.u32 s6, $0x1;
	s3 =	sadd.s32 s19, s18  }
0xa2: {  	s7 =	simm.s32 $0x0;
	s20 =	sshll.u32 s5, $0x1;
	s5 =	sadd.s32 s21, s3  }
0xa3: {  	[timem:s7], [sflag:s22] =	dma.local [hbm:s5], s20  }
0xa4: {  	_ =	swait.ge [sflag:s22], s20  }
0xa5: {  	s4 =	ssub.s32 $0x0, s20;
	[sflag:s22] =	ssyncset.done $0x0  }
0xa6: {  	[sflag:s22] =	ssyncadd.s32 s4;
	_ =	sdelay $0x1  }
0xa7: {  	s23 =	simm.s32 $0x1B8B  }
0xa8: {  	_ =	swait.ge [sflag:s23], $0x1  }
0xa9: {  	[sflag:s23] =	ssyncset.done $0x0  }
0xaa: {  	s25 =	simm.s32 $0x1B8E;
	s24 =	sld [smem:$0x3FFE];
	[sflag:s23] =	ssyncadd.s32 $0xFFFFFFFF  }
0xab: {  	s26 =	simm.s32 $execute0_lowered;
	[smem:$0x3FD2] =	sst s25  }
0xac: {  	s5 =	sshll.u32 s26, $0x1;
	_ =	strace $0x80000046;
	[dreg:$0x1] =	wrdreg $0xFFFFFFFF  }
0xad: {  	s28 =	simm.s32 $_size_execute0_lowered;
	s3 =	sadd.s32 s3, s5;
	[dreg:$0x0] =	wrdreg $0x0  }
0xae: {  	s5 =	sshll.u32 s28, $0x1;
	[dreg:$0x2] =	wrdreg s3  }
0xaf: {  	[dreg:$0x3] =	wrdreg s5  }
0xb0: {  	[dreg:$0x4] =	wrdreg $0xC0  }
0xb1: {  	_ =	task [dreg:s7], $0x5FFFF  }
0xb2: {  	[dreg:$0x1] =	wrdreg $0xFFFFFFFF  }
0xb3: {  	[dreg:$0x0] =	wrdreg $0x60  }
0xb4: {  	[dreg:$0x2] =	wrdreg s16  }
0xb5: {  	[dreg:$0x3] =	wrdreg s24  }
0xb6: {  	[dreg:$0x4] =	wrdreg $0x9  }
0xb7: {  	_ =	task.clear_ibuf [dreg:s7], $0x5FFFF;
	_ =	strace $0x90000046  }
0xb8: {  	s29 =	simm.s32 $0x9;
	_ =	strace $0x80000048  }
0xb9: {  	_ =	swait.ge [sflag:s29], $0x1  }
0xba: {  	[sflag:s29] =	ssyncadd.s32 $0xFFFFFFFF  }
0xbb: {  	_ =	strace $0x90000048  }
0xbc: {  	_ =	sfence  }
0xbd: {  	s30 =	sld [smem:$0x0];
	_ =	sdelay $0x2  }
0xbe: {  	s31 =	sshll.u32 s1, $0xD;
	s1 =	sshrl.u32 s1, $0x2  }
0xbf: {  	s3 =	sand.u32 $0x4000, s31;
	s1 =	sadd.s32 s1, s30  }
0xc0: {  	s0 =	sor.u32 s3, s0;
	s1 =	sshll.u32 s1, $0x11  }
0xc1: {  	s0 =	sor.u32 s1, s0  }
0xc2: {  	s0 =	sadd.s32 $0x8F2B, s0  }
0xc3: {  	[sflag:s0] =	ssyncadd.remote.s32 $0x1  }
0xc4: {  	_ =	sfence.sel $0xFFFF  }
0xc5: {  	[dreg:$0x0] =	wrdreg $0xFFFFFFFF;
	(pc) =	sbr.abs _section_cstart, $3  }
0xc6: {  	[dreg:$0x1] =	wrdreg $0xFFFFFFFF  }
0xc7: {  	_ =	task.clear_ibuf [dreg:s7], $0x2FFFF;
	_ =	strace $0x9FFFFFFF  }
0xc8: {  	(tm) =	ssettm $0x7FFFFFFF  }
0xc9: {  	_ =	shalt  }
tec
execute0_lowered:
.L_overlay_start_1:
0x0: {  	(tag) =	ssettag $0x1  }
0x1: {  	s0 =	rddreg [dreg:$0x0];
	s1 =	srdreg.scid  }
0x2: {  	[dreg:$0x3] =	wrdreg s0;
	s4 =	sand.u32 $0x1, s1;
	s0 =	stileid.u32  }
0x3: {  	s3 =	sor.u32 s0, s4  }
0x4: {  	p0 =	sne.s32 s3, $0x0  }
.Ltmp0:
0x5: {  	_ = 	snop;
	(pc) =	sbr.rel @p0 .LBB2_4-.Ltmp0, $3  }
0x6: {  	_ =	sdelay $0x1  }
0x7: {  	s2 =	rddreg [dreg:$0x1]  }
0x8: {  	s1 =	rddreg [dreg:$0x2];
	_ =	strace $0x80000047  }
0x9: {  	s3 =	sadd.s32 $0x2400, s2;
	s5 =	rddreg [dreg:$0x3]  }
0xa: {  	s16 =	sadd.s32 $0x2600, s2;
	[dreg:$0x4] =	wrdreg s3  }
0xb: {  	s17 =	simm.s32 $0x80;
	[dreg:$0x6] =	wrdreg s16  }
0xc: {  	s6 =	simm.s32 $0x100;
	[dreg:$0x5] =	wrdreg s17  }
0xd: {  	s2 =	simm.s32 $0x1;
	s3 =	simm.s32 $0x0;
	[dreg:$0x7] =	wrdreg s6  }
0xe: {  	[tilespmem:s3], [sflag:$0x1] =	stream.linear.gather [hbm4b:s5+s3], $0x80, $0x38;
	[tilespmem:$0x200] =	vst v63  }
0xf: {  	_ =	swait.ge [sflag:s2], $0x80  }
0x10: {  	[sflag:s2] =	ssyncset.done $0x0  }
0x11: {  	[sflag:s2] =	ssyncadd.s32 $0xFFFFFF80  }
0x12: {  	v0 =	vld [tilespmem:$0x0];
	_ =	sdelay $0x4  }
0x13: {  	(v2sf) =	vpush v0, $0x0  }
0x14: {  	(v2sf) =	vpush v0, $0x1;
	_ =	sdelay $0x2  }
0x15: {  	(v2sf) =	vpush v0, $0x2;
	_ =	sdelay $0x2  }
0x16: {  	(v2sf) =	vpush v0, $0x3;
	_ =	sdelay $0x2  }
0x17: {  	(v2sf) =	vpush v0, $0x4;
	_ =	sdelay $0x2  }
0x18: {  	(v2sf) =	vpush v0, $0x5;
	_ =	sdelay $0x1  }
0x19: {  	s6 =	spop (v2sf)  }
0x1a: {  	(v2sf) =	vpush v0, $0x6;
	s14 =	spop (v2sf)  }
0x1b: {  	p0 =	sgt.f32 s14, s6  }
0x1c: {  	s11 =	smov.u32 s6  }
0x1d: {  	(v2sf) =	vpush v0, $0x7;
	s13 =	spop (v2sf);
	s11 =	smov.u32 @p0 s14  }
0x1e: {  	p1 =	sgt.f32 s13, s11;
	_ =	sdelay $0x1  }
0x1f: {  	s12 =	spop (v2sf);
	s11 =	smov.u32 @p1 s13  }
0x20: {  	p2 =	sgt.f32 s12, s11;
	_ =	sdelay $0x1  }
0x21: {  	s10 =	spop (v2sf);
	s11 =	smov.u32 @p2 s12  }
0x22: {  	p3 =	sgt.f32 s10, s11;
	_ =	sdelay $0x1  }
0x23: {  	s9 =	spop (v2sf);
	s11 =	smov.u32 @p3 s10  }
0x24: {  	p4 =	sgt.f32 s9, s11  }
0x25: {  	s5 =	simm.s32 $0x1  }
0x26: {  	s5 =	simm.s32 @!p0 $0x0;
	s7 =	spop (v2sf);
	s11 =	smov.u32 @p4 s9  }
0x27: {  	s5 =	simm.s32 @p1 $0x2;
	p0 =	sgt.f32 s7, s11  }
0x28: {  	s5 =	simm.s32 @p2 $0x3  }
0x29: {  	s8 =	spop (v2sf);
	s5 =	simm.s32 @p3 $0x4;
	s11 =	smov.u32 @p0 s7  }
0x2a: {  	s5 =	simm.s32 @p4 $0x5;
	p1 =	sgt.f32 s8, s11  }
0x2b: {  	s5 =	simm.s32 @p0 $0x6  }
0x2c: {  	p2 =	sgt.f32 s6, $-Inf;
	s11 =	simm.s32 @!p1 $0x0;
	s5 =	simm.s32 @p1 $0x7  }
0x2d: {  	s11 =	simm.s32 @p1 $0x1;
	p1 =	sne.s32 s5, $0x0  }
0x2e: {  	p0 =	por !p2, !p1  }
0x2f: {  	p0 =	por !p0, !p0  }
0x30: {  	[smem:$0x7FD] =	sst s11;
	s11 =	simm.s32 @!p0 $0x0  }
0x31: {  	s11 =	simm.s32 @p0 $0x1  }
0x32: {  	[smem:$0x7F6] =	sst s11;
	s11 =	smov.u32 s6  }
0x33: {  	s11 =	simm.s32 @!p0 $0xFF800000  }
0x34: {  	p0 =	sgt.f32 s14, s11  }
0x35: {  	p6 =	sne.s32 s5, $0x1  }
0x36: {  	p0 =	por !p6, !p0  }
0x37: {  	p4 =	por !p0, !p0  }
0x38: {  	s11 =	smov.u32 @p4 s14  }
0x39: {  	p3 =	sgt.f32 s13, s11  }
0x3a: {  	p1 =	sne.s32 s5, $0x2  }
0x3b: {  	p0 =	por !p1, !p3  }
0x3c: {  	s15 =	smax.f32 s6, s14;
	p3 =	por !p0, !p0  }
0x3d: {  	s15 =	smax.f32 s15, s13;
	s11 =	smov.u32 @p3 s13  }
0x3e: {  	s15 =	smax.f32 s15, s12;
	s16 =	simm.s32 @!p1 $0x0;
	p5 =	sgt.f32 s12, s11  }
0x3f: {  	s15 =	smax.f32 s15, s10;
	s16 =	simm.s32 @p1 $0x1;
	p1 =	sne.s32 s5, $0x3  }
0x40: {  	s15 =	smax.f32 s15, s9;
	p0 =	por !p1, !p5  }
0x41: {  	s15 =	smax.f32 s15, s7;
	p5 =	por !p0, !p0  }
0x42: {  	s15 =	smax.f32 s15, s8;
	s11 =	smov.u32 @p5 s12  }
0x43: {  	v1 =	vmov s15;
	[smem:$0x7F7] =	sst s16;
	s16 =	simm.s32 @!p1 $0x0;
	p2 =	sgt.f32 s10, s11  }
0x44: {  	v0 =	vsub.f32 v0, v1;
	s16 =	simm.s32 @p1 $0x1;
	p1 =	sne.s32 s5, $0x4  }
0x45: {  	p0 =	por !p1, !p2  }
0x46: {  	v0 =	vmul.f32 $1.442695020e+00, v0;
	p2 =	por !p0, !p0  }
0x47: {  	s15 =	simm.s32 @!p1 $0x0;
	s11 =	smov.u32 @p2 s10  }
0x48: {  	(erf) = vpow2.f32 v0;
	s15 =	simm.s32 @p1 $0x1;
	p1 =	sgt.f32 s9, s11  }
0x49: {  	p0 =	sne.s32 s5, $0x5  }
0x4a: {  	[smem:$0x7F9] =	sst s15;
	s15 =	simm.s32 @!p0 $0x0;
	p1 =	por !p0, !p1  }
0x4b: {  	s15 =	simm.s32 @p0 $0x1;
	p1 =	por !p1, !p1  }
0x4c: {  	[smem:$0x7FA] =	sst s15;
	s15 =	simm.s32 $0x1;
	s11 =	smov.u32 @p1 s9  }
0x4d: {  	s15 =	simm.s32 @!p4 $0x0;
	p0 =	sgt.f32 s7, s11  }
0x4e: {  	s15 =	simm.s32 @p3 $0x2;
	p3 =	sne.s32 s5, $0x6  }
0x4f: {  	s15 =	simm.s32 @p5 $0x3;
	p5 =	por !p3, !p0  }
0x50: {  	s15 =	simm.s32 @p2 $0x4;
	p0 =	por !p5, !p5  }
0x51: {  	v1 =	vpop (erf);
	s15 =	simm.s32 @p1 $0x5;
	s11 =	smov.u32 @p0 s7  }
0x52: {  	(v2sf) =	vpush v1, $0x1;
	s15 =	simm.s32 @p0 $0x6;
	p0 =	sgt.f32 s8, s11  }
0x53: {  	(v2sf) =	vpush v1, $0x0  }
0x54: {  	s18 =	sld [smem:$0x7FD];
	(v2sf) =	vpush v1, $0x2;
	s11 =	simm.s32 @!p0 $0x0  }
0x55: {  	(v2sf) =	vpush v1, $0x4;
	s11 =	simm.s32 @p0 $0x1  }
0x56: {  	[smem:$0x7FC] =	sst s11;
	s11 =	smov.u32 s15  }
0x57: {  	s19 =	sld [smem:$0x7F6];
	s11 =	simm.s32 @p0 $0x7;
	p0 =	seq.s32 s18, $0x1  }
0x58: {  	(v2sf) =	vpush v1, $0x3;
	s11 =	smov.u32 @p0 s15  }
0x59: {  	[smem:$0x7F8] =	sst s16;
	p0 =	sne.s32 s11, $0x0  }
0x5a: {  	(v2sf) =	vpush v1, $0x5;
	s16 =	simm.s32 @!p3 $0x0;
	s6 =	simm.s32 @!p0 $0xFF800000;
	p0 =	seq.s32 s19, $0x1  }
0x5b: {  	s16 =	simm.s32 @p3 $0x1;
	p3 =	sne.s32 s11, $0x1;
	s6 =	simm.s32 @!p0 $0xFF800000  }
0x5c: {  	p0 =	por !p3, !p6;
	p4 =	sgt.f32 s14, s6  }
0x5d: {  	s20 =	sld [smem:$0x7F7];
	p0 =	por !p0, !p0  }
0x5e: {  	(v2sf) =	vpush v1, $0x6;
	p0 =	por !p0, !p4  }
0x5f: {  	(v2sf) =	vpush v1, $0x7;
	p0 =	por !p0, !p0  }
0x60: {  	p5 =	sne.s32 s11, $0x2;
	p6 =	seq.s32 s20, $0x1;
	s6 =	smov.u32 @p0 s14  }
0x61: {  	s21 =	spop (v2sf);
	p1 =	por !p5, !p6;
	p3 =	sgt.f32 s13, s6  }
0x62: {  	s22 =	spop (v2sf);
	s25 =	sld [smem:$0x7F8];
	p1 =	por !p1, !p1  }
0x63: {  	s23 =	spop (v2sf);
	s29 =	sld [smem:$0x7F9];
	p1 =	por !p1, !p3  }
0x64: {  	s24 =	spop (v2sf);
	s14 =	sadd.f32 s21, s22;
	p1 =	por !p1, !p1  }
0x65: {  	p5 =	seq.s32 s25, $0x1;
	p4 =	sne.s32 s11, $0x3;
	s6 =	smov.u32 @p1 s13  }
0x66: {  	p2 =	por !p4, !p5;
	s26 =	sadd.f32 s14, s23;
	p6 =	sgt.f32 s12, s6  }
0x67: {  	s28 =	spop (v2sf);
	p2 =	por !p2, !p2  }
0x68: {  	s13 =	sadd.f32 s26, s28;
	p2 =	por !p2, !p6  }
0x69: {  	s30 =	spop (v2sf);
	p4 =	seq.s32 s29, $0x1;
	p5 =	por !p2, !p2  }
0x6a: {  	p3 =	sne.s32 s11, $0x4;
	s13 =	sadd.f32 s13, s24;
	s6 =	smov.u32 @p5 s12  }
0x6b: {  	s15 =	sld [smem:$0x7FA];
	p2 =	por !p3, !p4;
	p6 =	sgt.f32 s10, s6  }
0x6c: {  	s12 =	sadd.f32 s13, s30;
	p2 =	por !p2, !p2  }
0x6d: {  	s31 =	spop (v2sf);
	[smem:$0x7FB] =	sst s16;
	p2 =	por !p2, !p6  }
0x6e: {  	s14 =	spop (v2sf);
	s12 =	sadd.f32 s12, s31;
	p3 =	por !p2, !p2  }
0x6f: {  	p4 =	sne.s32 s11, $0x5;
	p6 =	seq.s32 s15, $0x1;
	s6 =	smov.u32 @p3 s10  }
0x70: {  	p2 =	por !p4, !p6;
	s16 =	sadd.f32 s12, s14;
	p6 =	sgt.f32 s9, s6  }
0x71: {  	s17 =	sld [smem:$0x7FB];
	p2 =	por !p2, !p2  }
0x72: {  	v0 =	vmov s16;
	p2 =	por !p2, !p6  }
0x73: {  	p4 =	sne.s32 s11, $0x6;
	s10 =	simm.s32 $0x1;
	(erf) = vrcp.f32 v0;
	p2 =	por !p2, !p2  }
0x74: {  	s10 =	simm.s32 @!p0 $0x0;
	p6 =	seq.s32 s17, $0x1;
	s6 =	smov.u32 @p2 s9  }
0x75: {  	s10 =	simm.s32 @p1 $0x2;
	p0 =	por !p4, !p6;
	p6 =	sgt.f32 s7, s6  }
0x76: {  	s10 =	simm.s32 @p5 $0x3;
	p0 =	por !p0, !p0  }
0x77: {  	s18 =	sld [smem:$0x7FC];
	s10 =	simm.s32 @p3 $0x4;
	p0 =	por !p0, !p6  }
0x78: {  	s10 =	simm.s32 @p2 $0x5;
	p0 =	por !p0, !p0  }
0x79: {  	s19 =	sld [smem:$0x7FD];
	s6 =	smov.u32 @p0 s7;
	s10 =	simm.s32 @p0 $0x6  }
0x7a: {  	p1 =	seq.s32 s18, $0x1;
	p0 =	sgt.f32 s8, s6;
	s6 =	smov.u32 s10  }
0x7b: {  	s7 =	smov.u32 s10;
	s6 =	simm.s32 @!p1 $0x7  }
0x7c: {  	v3 =	vmov s5;
	v2 =	vpop (erf);
	s7 =	smov.u32 @p0 s6;
	p0 =	seq.s32 s19, $0x1  }
0x7d: {  	v4 =	vmov s11;
	v0 =	vlaneseq.u32;
	v2 =	vmul.f32 v2, v1;
	s7 =	smov.u32 @p0 s10  }
0x7e: {  	vm0 =	veq.s32 v4, v0;
	vm1 =	veq.s32 v3, v0;
	v3 =	vmov s7  }
0x7f: {  	vm0 =	vmor vm1, vm0;
	v2 =	vmul.f32 $1.442695020e+00, v2;
	vm1 =	veq.s32 v3, v0  }
0x80: {  	vm3 =	vmor vm0, vm1  }
0x81: {  	v2 =	vnsel vm3, $0xFF800000, v2  }
0x82: {  	(erf) = vpow2.f32 v2;
	_ =	sdelay $0x8  }
0x83: {  	v2 =	vpop (erf)  }
0x84: {  	(v2sf) =	vpush v2, $0x0  }
0x85: {  	(v2sf) =	vpush v2, $0x1;
	_ =	sdelay $0x1  }
0x86: {  	(v2sf) =	vpush v2, $0x2;
	_ =	sdelay $0x1  }
0x87: {  	(v2sf) =	vpush v2, $0x3;
	_ =	sdelay $0x1  }
0x88: {  	(v2sf) =	vpush v2, $0x4;
	_ =	sdelay $0x1  }
0x89: {  	(v2sf) =	vpush v2, $0x5;
	_ =	sdelay $0x1  }
0x8a: {  	(v2sf) =	vpush v2, $0x6;
	_ =	sdelay $0x1  }
0x8b: {  	(v2sf) =	vpush v2, $0x7;
	_ =	sdelay $0x1  }
0x8c: {  	s20 =	spop (v2sf)  }
0x8d: {  	s21 =	spop (v2sf)  }
0x8e: {  	s6 =	sadd.f32 s21, s20  }
0x8f: {  	s22 =	spop (v2sf)  }
0x90: {  	s6 =	sadd.f32 s6, s22  }
0x91: {  	s23 =	spop (v2sf)  }
0x92: {  	s6 =	sadd.f32 s6, s23  }
0x93: {  	s24 =	spop (v2sf)  }
0x94: {  	s6 =	sadd.f32 s6, s24  }
0x95: {  	s25 =	spop (v2sf)  }
0x96: {  	s6 =	sadd.f32 s6, s25  }
0x97: {  	s26 =	spop (v2sf)  }
0x98: {  	s6 =	sadd.f32 s6, s26  }
0x99: {  	s28 =	spop (v2sf)  }
0x9a: {  	s6 =	sadd.f32 s6, s28;
	_ =	sdelay $0x1  }
0x9b: {  	v63 =	vmov s6  }
0x9c: {  	(erf) = vrcp.f32 v63;
	_ =	sdelay $0x7  }
0x9d: {  	vm0 =	vcmask $0xB08  }
0x9e: {  	s4 =	ssub.s32 $0x2, s4;
	vm1 =	vcmask $0x3F08;
	v3 =	vnsel vm0, $0x0, v3;
	v4 =	vpop (erf)  }
0x9f: {  	s31 =	sshrl.u32 s4, $0x1;
	vm2 =	veq.s32 v0, $0x0;
	v3 =	vnsel vm1, s11, v3;
	v2 =	vmul.f32 v4, v2  }
0xa0: {  	[tilespmem:$0x180] =	vst v1;
	s4 =	ssub.s32 s4, s31;
	v1 =	vsel vm2, s5, v3  }
0xa1: {  	s29 =	rddreg [dreg:$0x5];
	p0 =	sne.s32 s4, $0x1;
	[tilespmem:$0x100] =	vst v1;
	v1 =	vnsel vm3, $0x0, v2  }
.Ltmp1:
0xa2: {  	s30 =	rddreg [dreg:$0x4];
	[tilespmem:$0x80] =	vst v1;
	(pc) =	sbr.rel @!p0 .LBB2_3-.Ltmp1, $4  }
0xa3: {  	[hbm4b:s30+s3] =	stream.linear.scatter [tilespmem:s29], [sflag:$0x1], $0x80, $0x38;
	[tilespmem:$0x200] =	vst v63  }
0xa4: {  	_ =	swait.ge [sflag:s2], $0x80  }
0xa5: {  	s5 =	rddreg [dreg:$0x6]  }
0xa6: {  	s4 =	sadd.s32 $0xFFFFFFFF, s4;
	s6 =	rddreg [dreg:$0x7];
	[sflag:s2] =	ssyncset.done $0x0  }
.LBB2_2:
0xa7: {  	p0 =	sne.s32 s4, $0x1  }
0xa8: {  	[sflag:s2] =	ssyncadd.s32 $0xFFFFFF80;
	s7 =	simm.s32 @!p0 $0x0  }
0xa9: {  	[hbm4b:s5+s3] =	stream.linear.scatter [tilespmem:s6], [sflag:$0x1], $0x80, $0x38;
	[tilespmem:$0x200] =	vst v63  }
0xaa: {  	s7 =	simm.s32 @p0 $0x1  }
0xab: {  	[smem:$0x7F5] =	sst s7  }
0xac: {  	_ =	swait.ge [sflag:s2], $0x80  }
0xad: {  	[sflag:s2] =	ssyncset.done $0x0  }
0xae: {  	s18 =	rddreg [dreg:$0x3];
	[sflag:s2] =	ssyncadd.s32 $0xFFFFFF80  }
0xaf: {  	[tilespmem:s3], [sflag:$0x1] =	stream.linear.gather [hbm4b:s18+s3], $0x80, $0x38;
	[tilespmem:$0x200] =	vst v63  }
0xb0: {  	_ =	swait.ge [sflag:s2], $0x80  }
0xb1: {  	[sflag:s2] =	ssyncset.done $0x0  }
0xb2: {  	[sflag:s2] =	ssyncadd.s32 $0xFFFFFF80  }
0xb3: {  	v1 =	vld [tilespmem:$0x0];
	_ =	sdelay $0x4  }
0xb4: {  	(v2sf) =	vpush v1, $0x0  }
0xb5: {  	(v2sf) =	vpush v1, $0x1;
	_ =	sdelay $0x2  }
0xb6: {  	(v2sf) =	vpush v1, $0x2;
	_ =	sdelay $0x2  }
0xb7: {  	(v2sf) =	vpush v1, $0x3;
	_ =	sdelay $0x2  }
0xb8: {  	(v2sf) =	vpush v1, $0x4;
	_ =	sdelay $0x2  }
0xb9: {  	(v2sf) =	vpush v1, $0x5;
	_ =	sdelay $0x1  }
0xba: {  	s5 =	spop (v2sf)  }
0xbb: {  	(v2sf) =	vpush v1, $0x6;
	s13 =	spop (v2sf)  }
0xbc: {  	p0 =	sgt.f32 s13, s5  }
0xbd: {  	s14 =	smov.u32 s5  }
0xbe: {  	(v2sf) =	vpush v1, $0x7;
	s12 =	spop (v2sf);
	s14 =	smov.u32 @p0 s13  }
0xbf: {  	p1 =	sgt.f32 s12, s14;
	_ =	sdelay $0x1  }
0xc0: {  	s11 =	spop (v2sf);
	s14 =	smov.u32 @p1 s12  }
0xc1: {  	p2 =	sgt.f32 s11, s14;
	_ =	sdelay $0x1  }
0xc2: {  	s19 =	smax.f32 s5, s13;
	s10 =	spop (v2sf);
	s14 =	smov.u32 @p2 s11  }
0xc3: {  	s6 =	smax.f32 s19, s12;
	p3 =	sgt.f32 s10, s14  }
0xc4: {  	s6 =	smax.f32 s6, s11  }
0xc5: {  	s6 =	smax.f32 s6, s10;
	s9 =	spop (v2sf);
	s14 =	smov.u32 @p3 s10  }
0xc6: {  	s8 =	smax.f32 s6, s9;
	s6 =	simm.s32 $0x1;
	p4 =	sgt.f32 s9, s14  }
0xc7: {  	s6 =	simm.s32 @!p0 $0x0  }
0xc8: {  	s6 =	simm.s32 @p1 $0x2;
	s7 =	spop (v2sf);
	s14 =	smov.u32 @p4 s9  }
0xc9: {  	s6 =	simm.s32 @p2 $0x3;
	p0 =	sgt.f32 s7, s14  }
0xca: {  	s6 =	simm.s32 @p3 $0x4  }
0xcb: {  	s15 =	smax.f32 s8, s7;
	s8 =	spop (v2sf);
	s14 =	smov.u32 @p0 s7  }
0xcc: {  	s6 =	simm.s32 @p4 $0x5;
	p6 =	sgt.f32 s8, s14  }
0xcd: {  	s6 =	simm.s32 @p0 $0x6  }
0xce: {  	p4 =	sgt.f32 s5, $-Inf;
	s6 =	simm.s32 @p6 $0x7  }
0xcf: {  	p5 =	sne.s32 s6, $0x0  }
0xd0: {  	p0 =	por !p4, !p5  }
0xd1: {  	p0 =	por !p0, !p0  }
0xd2: {  	s14 =	simm.s32 @!p0 $0x0  }
0xd3: {  	s14 =	simm.s32 @p0 $0x1  }
0xd4: {  	[smem:$0x7EF] =	sst s14;
	s14 =	smov.u32 s5  }
0xd5: {  	s14 =	simm.s32 @!p0 $0xFF800000  }
0xd6: {  	p0 =	sgt.f32 s13, s14  }
0xd7: {  	p1 =	sne.s32 s6, $0x1  }
0xd8: {  	p0 =	por !p1, !p0  }
0xd9: {  	s20 =	smax.f32 s15, s8;
	s15 =	simm.s32 @!p6 $0x0;
	p5 =	por !p0, !p0  }
0xda: {  	s15 =	simm.s32 @p6 $0x1;
	s14 =	smov.u32 @p5 s13  }
0xdb: {  	v2 =	vmov s20;
	[smem:$0x7F4] =	sst s15;
	s15 =	simm.s32 @!p1 $0x0;
	p2 =	sgt.f32 s12, s14  }
0xdc: {  	v2 =	vsub.f32 v1, v2;
	s15 =	simm.s32 @p1 $0x1;
	p1 =	sne.s32 s6, $0x2  }
0xdd: {  	p0 =	por !p1, !p2  }
0xde: {  	v2 =	vmul.f32 $1.442695020e+00, v2;
	p4 =	por !p0, !p0  }
0xdf: {  	s14 =	smov.u32 @p4 s12  }
0xe0: {  	(erf) = vpow2.f32 v2;
	[smem:$0x7ED] =	sst s15;
	s15 =	simm.s32 @!p1 $0x0;
	p3 =	sgt.f32 s11, s14  }
0xe1: {  	s15 =	simm.s32 @p1 $0x1;
	p1 =	sne.s32 s6, $0x3  }
0xe2: {  	p0 =	por !p1, !p3  }
0xe3: {  	p3 =	por !p0, !p0  }
0xe4: {  	s14 =	smov.u32 @p3 s11  }
0xe5: {  	[smem:$0x7EE] =	sst s15;
	s15 =	simm.s32 @!p1 $0x0;
	p2 =	sgt.f32 s10, s14  }
0xe6: {  	s15 =	simm.s32 @p1 $0x1;
	p1 =	sne.s32 s6, $0x4  }
0xe7: {  	p0 =	por !p1, !p2  }
0xe8: {  	p2 =	por !p0, !p0  }
0xe9: {  	v2 =	vpop (erf);
	s14 =	smov.u32 @p2 s10  }
0xea: {  	(v2sf) =	vpush v2, $0x1;
	[smem:$0x7F0] =	sst s15;
	s15 =	simm.s32 @!p1 $0x0;
	p0 =	sgt.f32 s9, s14  }
0xeb: {  	(v2sf) =	vpush v2, $0x0;
	s15 =	simm.s32 @p1 $0x1;
	p1 =	sne.s32 s6, $0x5  }
0xec: {  	p0 =	por !p1, !p0  }
0xed: {  	p0 =	por !p0, !p0  }
0xee: {  	[smem:$0x7F1] =	sst s15;
	s15 =	simm.s32 @!p1 $0x0;
	s14 =	smov.u32 @p0 s9  }
0xef: {  	s16 =	simm.s32 $0x1;
	s15 =	simm.s32 @p1 $0x1;
	p1 =	sgt.f32 s7, s14  }
0xf0: {  	s16 =	simm.s32 @!p5 $0x0;
	p5 =	sne.s32 s6, $0x6  }
0xf1: {  	(v2sf) =	vpush v2, $0x2;
	s16 =	simm.s32 @p4 $0x2;
	p1 =	por !p5, !p1  }
0xf2: {  	(v2sf) =	vpush v2, $0x4;
	s16 =	simm.s32 @p3 $0x3;
	p1 =	por !p1, !p1  }
0xf3: {  	s23 =	sld [smem:$0x7ED];
	s16 =	simm.s32 @p2 $0x4;
	s14 =	smov.u32 @p1 s7  }
0xf4: {  	s25 =	sld [smem:$0x7EF];
	s16 =	simm.s32 @p0 $0x5;
	p0 =	sgt.f32 s8, s14  }
0xf5: {  	s24 =	sld [smem:$0x7EE]  }
0xf6: {  	s26 =	sld [smem:$0x7F0];
	s14 =	simm.s32 @!p0 $0x0  }
0xf7: {  	s28 =	sld [smem:$0x7F1];
	s16 =	simm.s32 @p1 $0x6;
	s14 =	simm.s32 @p0 $0x1  }
0xf8: {  	p3 =	seq.s32 s24, $0x1;
	[smem:$0x7F3] =	sst s14;
	s14 =	smov.u32 s16  }
0xf9: {  	s21 =	spop (v2sf);
	[smem:$0x7F2] =	sst s15;
	s14 =	simm.s32 @p0 $0x7  }
0xfa: {  	s17 =	spop (v2sf);
	s29 =	sld [smem:$0x7F2];
	s14 =	smov.u32 @p6 s16  }
0xfb: {  	p6 =	seq.s32 s23, $0x1;
	p0 =	sne.s32 s14, $0x0;
	p4 =	sne.s32 s14, $0x1  }
0xfc: {  	(v2sf) =	vpush v2, $0x3;
	p2 =	sne.s32 s14, $0x2;
	p1 =	sne.s32 s14, $0x3;
	s5 =	simm.s32 @!p0 $0xFF800000  }
0xfd: {  	p4 =	por !p4, !p6;
	p2 =	por !p2, !p3;
	p0 =	seq.s32 s25, $0x1  }
0xfe: {  	p3 =	sne.s32 s14, $0x4;
	p6 =	seq.s32 s26, $0x1;
	s5 =	simm.s32 @!p0 $0xFF800000  }
0xff: {  	p6 =	por !p1, !p6;
	p1 =	seq.s32 s28, $0x1;
	p0 =	sgt.f32 s13, s5  }
0x100: {  	(v2sf) =	vpush v2, $0x5;
	s18 =	spop (v2sf);
	p3 =	por !p3, !p1;
	p1 =	por !p4, !p4  }
0x101: {  	s19 =	spop (v2sf);
	p1 =	por !p1, !p0  }
0x102: {  	(v2sf) =	vpush v2, $0x6;
	p4 =	sne.s32 s14, $0x5;
	p0 =	seq.s32 s29, $0x1;
	p1 =	por !p1, !p1  }
0x103: {  	p4 =	por !p4, !p0;
	p0 =	sne.s32 s14, $0x6;
	s5 =	smov.u32 @p1 s13  }
0x104: {  	(v2sf) =	vpush v2, $0x7;
	p0 =	por !p0, !p5;
	p5 =	sgt.f32 s12, s5  }
0x105: {  	p2 =	por !p2, !p2  }
0x106: {  	p2 =	por !p2, !p5  }
0x107: {  	p2 =	por !p2, !p2  }
0x108: {  	s15 =	sadd.f32 s21, s17;
	s5 =	smov.u32 @p2 s12  }
0x109: {  	p5 =	sgt.f32 s11, s5  }
0x10a: {  	s15 =	sadd.f32 s15, s18;
	p6 =	por !p6, !p6  }
0x10b: {  	s22 =	spop (v2sf);
	p5 =	por !p6, !p5  }
0x10c: {  	s15 =	sadd.f32 s15, s22;
	p5 =	por !p5, !p5  }
0x10d: {  	s5 =	smov.u32 @p5 s11  }
0x10e: {  	s15 =	sadd.f32 s15, s19;
	p6 =	sgt.f32 s10, s5  }
0x10f: {  	s30 =	spop (v2sf);
	p3 =	por !p3, !p3  }
0x110: {  	s13 =	sadd.f32 s15, s30;
	p3 =	por !p3, !p6  }
0x111: {  	s31 =	spop (v2sf);
	p3 =	por !p3, !p3  }
0x112: {  	s13 =	sadd.f32 s13, s31;
	s5 =	smov.u32 @p3 s10  }
0x113: {  	s16 =	spop (v2sf);
	p6 =	sgt.f32 s9, s5  }
0x114: {  	p4 =	por !p4, !p4;
	s17 =	sadd.f32 s13, s16  }
0x115: {  	v3 =	vmov s14;
	p4 =	por !p4, !p6  }
0x116: {  	vm3 =	veq.s32 v3, v0;
	v3 =	vmov s17;
	p4 =	por !p4, !p4  }
0x117: {  	(erf) = vrcp.f32 v3;
	s5 =	smov.u32 @p4 s9;
	s9 =	simm.s32 $0x1  }
0x118: {  	s9 =	simm.s32 @!p1 $0x0  }
0x119: {  	p6 =	sgt.f32 s7, s5;
	s9 =	simm.s32 @p2 $0x2  }
0x11a: {  	p0 =	por !p0, !p0;
	s9 =	simm.s32 @p5 $0x3  }
0x11b: {  	s18 =	sld [smem:$0x7F3];
	p0 =	por !p0, !p6;
	s9 =	simm.s32 @p3 $0x4  }
0x11c: {  	p0 =	por !p0, !p0;
	s9 =	simm.s32 @p4 $0x5  }
0x11d: {  	s19 =	sld [smem:$0x7F4];
	s5 =	smov.u32 @p0 s7;
	s9 =	simm.s32 @p0 $0x6  }
0x11e: {  	p1 =	seq.s32 s18, $0x1;
	p0 =	sgt.f32 s8, s5;
	s5 =	smov.u32 s9  }
0x11f: {  	s7 =	smov.u32 s9;
	s5 =	simm.s32 @!p1 $0x7  }
0x120: {  	v3 =	vpop (erf);
	s7 =	smov.u32 @p0 s5;
	p0 =	seq.s32 s19, $0x1  }
0x121: {  	v1 =	vmov s6;
	[tilespmem:$0x180] =	vst v2;
	v2 =	vmul.f32 v3, v2;
	s7 =	smov.u32 @p0 s9  }
0x122: {  	vm4 =	veq.s32 v1, v0;
	v1 =	vmov s7  }
0x123: {  	vm3 =	vmor vm4, vm3;
	v2 =	vmul.f32 $1.442695020e+00, v2;
	vm15 =	veq.s32 v1, v0  }
0x124: {  	vm3 =	vmor vm3, vm15  }
0x125: {  	v2 =	vnsel vm3, $0xFF800000, v2  }
0x126: {  	(erf) = vpow2.f32 v2;
	_ =	sdelay $0x3  }
0x127: {  	v1 =	vnsel vm0, $0x0, v1  }
0x128: {  	v1 =	vnsel vm1, s14, v1  }
0x129: {  	v1 =	vsel vm2, s6, v1;
	_ =	sdelay $0x2  }
0x12a: {  	[tilespmem:$0x100] =	vst v1;
	v1 =	vpop (erf)  }
0x12b: {  	(v2sf) =	vpush v1, $0x0  }
0x12c: {  	(v2sf) =	vpush v1, $0x1;
	_ =	sdelay $0x1  }
0x12d: {  	(v2sf) =	vpush v1, $0x2;
	_ =	sdelay $0x1  }
0x12e: {  	(v2sf) =	vpush v1, $0x3;
	_ =	sdelay $0x1  }
0x12f: {  	(v2sf) =	vpush v1, $0x4;
	_ =	sdelay $0x1  }
0x130: {  	(v2sf) =	vpush v1, $0x5;
	_ =	sdelay $0x1  }
0x131: {  	(v2sf) =	vpush v1, $0x6;
	_ =	sdelay $0x1  }
0x132: {  	(v2sf) =	vpush v1, $0x7;
	_ =	sdelay $0x1  }
0x133: {  	s20 =	spop (v2sf)  }
0x134: {  	s21 =	spop (v2sf)  }
0x135: {  	s5 =	sadd.f32 s21, s20  }
0x136: {  	s22 =	spop (v2sf)  }
0x137: {  	s5 =	sadd.f32 s5, s22  }
0x138: {  	s23 =	spop (v2sf)  }
0x139: {  	s5 =	sadd.f32 s5, s23  }
0x13a: {  	s24 =	spop (v2sf)  }
0x13b: {  	s5 =	sadd.f32 s5, s24  }
0x13c: {  	s25 =	spop (v2sf)  }
0x13d: {  	s5 =	sadd.f32 s5, s25  }
0x13e: {  	s26 =	spop (v2sf)  }
0x13f: {  	s5 =	sadd.f32 s5, s26  }
0x140: {  	s28 =	spop (v2sf)  }
0x141: {  	s5 =	sadd.f32 s5, s28;
	_ =	sdelay $0x1  }
0x142: {  	v2 =	vmov s5  }
0x143: {  	(erf) = vrcp.f32 v2;
	_ =	sdelay $0x8  }
0x144: {  	v2 =	vpop (erf)  }
0x145: {  	v1 =	vmul.f32 v2, v1;
	_ =	sdelay $0x1  }
0x146: {  	s29 =	rddreg [dreg:$0x5];
	v1 =	vnsel vm3, $0x0, v1  }
0x147: {  	s30 =	rddreg [dreg:$0x4];
	[tilespmem:$0x80] =	vst v1  }
0x148: {  	[hbm4b:s30+s3] =	stream.linear.scatter [tilespmem:s29], [sflag:$0x1], $0x80, $0x38;
	[tilespmem:$0x200] =	vst v63  }
0x149: {  	_ =	swait.ge [sflag:s2], $0x80  }
0x14a: {  	s31 =	sld [smem:$0x7F5];
	_ =	sdelay $0x2  }
0x14b: {  	p0 =	seq.s32 s31, $0x1  }
.Ltmp2:
0x14c: {  	_ = 	snop;
	(pc) =	sbr.rel @p0 .LBB2_2-.Ltmp2, $3  }
0x14d: {  	_ =	sdelay $0x1  }
0x14e: {  	s5 =	rddreg [dreg:$0x6]  }
0x14f: {  	s4 =	sadd.s32 $0xFFFFFFFF, s4;
	s6 =	rddreg [dreg:$0x7];
	[sflag:s2] =	ssyncset.done $0x0  }
.LBB2_3:
0x150: {  	[sflag:s2] =	ssyncadd.s32 $0xFFFFFF80  }
0x151: {  	[hbm4b:s5+s3] =	stream.linear.scatter [tilespmem:s6], [sflag:$0x1], $0x80, $0x38;
	[tilespmem:$0x200] =	vst v63  }
0x152: {  	_ =	swait.ge [sflag:s2], $0x80  }
0x153: {  	[sflag:s2] =	ssyncset.done $0x0  }
0x154: {  	[sflag:s2] =	ssyncadd.s32 $0xFFFFFF80  }
.LBB2_4:
0x155: {  	_ =	sfence.sel $0x180000  }
0x156: {  	[bflag:$0x0] =	sbarrier.arrive $0xFFFF  }
0x157: {  	p0 =	sne.s32 s0, $0x0;
	_ =	strace $0x90000047  }
0x158: {  	s0 =	sadd.s32 @!p0 $0x100000, s1;
	[bflag:$0x2] =	sbarrier.arrive $0xFFFF  }
0x159: {  	[sflag:s0] =	ssyncadd.tile.s32 @!p0 $0x1;
	_ =	shalt  }
.Lfunc_end2:
_tile_overlayer_lowered:
.L_overlay_start_2:
0x15a: {  	(tag) =	ssettag $0x2  }
0x15b: {  	s0 =	rddreg [dreg:$0x0];
	s2 =	stileid.u32  }
0x15c: {  	s1 =	rddreg [dreg:$0x1];
	p0 =	sne.s32 s2, $0x0  }
0x15d: {  	s3 =	rddreg [dreg:$0x2];
	[bflag:$0x3] =	sbarrier.arrive $0xFFFF;
	s2 =	simm.s32 @!p0 $0x1C01  }
0x15e: {  	[timem:s3], [sflag:s2] =	dma.local @!p0 [hbm:s0], s1  }
0x15f: {  	s0 =	simm.s32 @!p0 $0x1  }
0x160: {  	_ =	swait.ge @!p0 [sflag:s0], s1  }
0x161: {  	s1 =	ssub.s32 @!p0 $0x0, s1;
	[sflag:s0] =	ssyncset.done @!p0 $0x0  }
0x162: {  	[sflag:s0] =	ssyncadd.s32 @!p0 s1  }
0x163: {  	[bflag:$0x3] =	sbarrier.arrive $0xFFFF  }
0x164: {  	_ =	shalt  }

</sc_bundles>
